<compile_context>
chip_gen: v7x
topology: tpu7x:2x2x1
jax: 0.10.2.dev20260603
libtpu: 0.0.44.dev20260713+nightly
codegen_flags: <defaults>
</compile_context>

<pallas_src>
import functools

import jax
import jax.numpy as jnp
from jax import lax
from jax.experimental import pallas as pl
from jax.experimental.pallas import tpu as pltpu
from jax.experimental.pallas import tpu_sc as plsc

_NC = 2
_NS = 16
_L = 16
_NW = _NC * _NS
_K = 128
_BLK = 5120


def _sc_degree(dst_idx, n_pad, n_chunks):
  zrows = n_pad // _NS
  mesh = plsc.VectorSubcoreMesh(core_axis_name="c", subcore_axis_name="s")

  @functools.partial(
      pl.kernel,
      out_type=jax.ShapeDtypeStruct((_NC, n_pad), jnp.float32),
      mesh=mesh,
      scratch_types=[
          pltpu.VMEM((n_chunks, _K), jnp.int32),
          pltpu.VMEM((_K,), jnp.float32),
          pltpu.VMEM_SHARED((n_pad,), jnp.float32),
      ],
  )
  def k(dst_hbm, out_hbm, di_v, ones_v, deg_sh):
    cid = lax.axis_index("c")
    sid = lax.axis_index("s")
    wid = cid * _NS + sid
    pltpu.sync_copy(dst_hbm.at[wid], di_v)

    def _fill(val, i, carry):
      ones_v[pl.ds(i * _L, _L)] = jnp.full((_L,), val, jnp.float32)
      return carry

    lax.fori_loop(0, _K // _L, functools.partial(_fill, 0.0), 0)
    for z in range(zrows // _K):
      pltpu.sync_copy(ones_v, deg_sh.at[pl.ds(sid * zrows + z * _K, _K)])
    lax.fori_loop(0, _K // _L, functools.partial(_fill, 1.0), 0)
    plsc.subcore_barrier()

    def chunk(j, carry):
      pltpu.sync_copy(ones_v, deg_sh.at[di_v.at[j]], add=True)
      return carry

    lax.fori_loop(0, n_chunks, chunk, 0)
    plsc.subcore_barrier()
    pltpu.sync_copy(deg_sh.at[pl.ds(sid * zrows, zrows)],
                    out_hbm.at[cid, pl.ds(sid * zrows, zrows)])

  return k(dst_idx)


def _sc_scatter(y, src_idx, dst_idx, n_pad, d, n_chunks):
  zrows = n_pad // _NS
  mesh = plsc.VectorSubcoreMesh(core_axis_name="c", subcore_axis_name="s")

  @functools.partial(
      pl.kernel,
      out_type=jax.ShapeDtypeStruct((_NC, n_pad, d), jnp.float32),
      mesh=mesh,
      scratch_types=[
          pltpu.VMEM((n_chunks, _K), jnp.int32),
          pltpu.VMEM((n_chunks, _K), jnp.int32),
          pltpu.VMEM((_K, d), jnp.float32),
          pltpu.SemaphoreType.DMA,
          pltpu.VMEM_SHARED((n_pad, d), jnp.float32),
      ],
  )
  def k(y_hbm, src_hbm, dst_hbm, out_hbm, si_v, di_v, buf, gsem, s_sh):
    cid = lax.axis_index("c")
    sid = lax.axis_index("s")
    wid = cid * _NS + sid
    pltpu.sync_copy(src_hbm.at[wid], si_v)
    pltpu.sync_copy(dst_hbm.at[wid], di_v)

    def _zero(i, carry):
      for j in range(d // _L):
        buf[i, pl.ds(j * _L, _L)] = jnp.zeros((_L,), jnp.float32)
      return carry

    lax.fori_loop(0, _K, _zero, 0)
    for z in range(zrows // _K):
      pltpu.sync_copy(buf, s_sh.at[pl.ds(sid * zrows + z * _K, _K)])
    plsc.subcore_barrier()

    def chunk(j, carry):
      pltpu.async_copy(y_hbm.at[si_v.at[j]], buf, gsem).wait()
      pltpu.sync_copy(buf, s_sh.at[di_v.at[j]], add=True)
      return carry

    lax.fori_loop(0, n_chunks, chunk, 0)
    plsc.subcore_barrier()
    pltpu.sync_copy(s_sh.at[pl.ds(sid * zrows, zrows)],
                    out_hbm.at[cid, pl.ds(sid * zrows, zrows)])

  return k(y, src_idx, dst_idx)


def _tc_y1(x, w1, deg, n_pad, d_in, d_hid):

  def body(x_ref, w_ref, dg_ref, y_ref, di_ref):
    dg = dg_ref[...]
    dinv = lax.rsqrt(dg[0] + dg[1] + 1.0)
    di_ref[...] = dinv
    xw = jnp.dot(x_ref[...], w_ref[...], preferred_element_type=jnp.float32)
    y_ref[...] = xw * dinv

  return pl.pallas_call(
      body,
      grid=(n_pad // _BLK,),
      in_specs=[
          pl.BlockSpec((_BLK, d_in), lambda i: (i, 0)),
          pl.BlockSpec((d_in, d_hid), lambda i: (0, 0)),
          pl.BlockSpec((_NC, _BLK, 1), lambda i: (0, i, 0)),
      ],
      out_specs=[
          pl.BlockSpec((_BLK, d_hid), lambda i: (i, 0)),
          pl.BlockSpec((_BLK, 1), lambda i: (i, 0)),
      ],
      out_shape=[
          jax.ShapeDtypeStruct((n_pad, d_hid), jnp.float32),
          jax.ShapeDtypeStruct((n_pad, 1), jnp.float32),
      ],
  )(x, w1, deg)


def _tc_combine_stats(s, y1, dinv, b1, n_real, n_pad, d_hid):

  def body(s_ref, y_ref, di_ref, b_ref, h_ref, sum_ref, sq_ref):
    i = pl.program_id(0)
    h = di_ref[...] * (jnp.sum(s_ref[...], axis=0) + y_ref[...]) + b_ref[...]
    h_ref[...] = h
    rows = i * _BLK + lax.broadcasted_iota(jnp.int32, (_BLK, 1), 0)
    hm = jnp.where(rows < n_real, h, 0.0)

    @pl.when(i == 0)
    def _():
      sum_ref[...] = jnp.zeros_like(sum_ref)
      sq_ref[...] = jnp.zeros_like(sq_ref)

    sum_ref[...] += jnp.sum(hm, axis=0, keepdims=True)
    sq_ref[...] += jnp.sum(hm * hm, axis=0, keepdims=True)

  return pl.pallas_call(
      body,
      grid=(n_pad // _BLK,),
      in_specs=[
          pl.BlockSpec((_NC, _BLK, d_hid), lambda i: (0, i, 0)),
          pl.BlockSpec((_BLK, d_hid), lambda i: (i, 0)),
          pl.BlockSpec((_BLK, 1), lambda i: (i, 0)),
          pl.BlockSpec((1, d_hid), lambda i: (0, 0)),
      ],
      out_specs=[
          pl.BlockSpec((_BLK, d_hid), lambda i: (i, 0)),
          pl.BlockSpec((1, d_hid), lambda i: (0, 0)),
          pl.BlockSpec((1, d_hid), lambda i: (0, 0)),
      ],
      out_shape=[
          jax.ShapeDtypeStruct((n_pad, d_hid), jnp.float32),
          jax.ShapeDtypeStruct((1, d_hid), jnp.float32),
          jax.ShapeDtypeStruct((1, d_hid), jnp.float32),
      ],
  )(s, y1, dinv, b1)


def _tc_bn_relu_y2(h_pre, ssum, ssq, gamma, beta, w2, dinv, n_real, n_pad,
                   d_hid, d_out):

  def body(h_ref, sum_ref, sq_ref, g_ref, bt_ref, w_ref, di_ref, y_ref):
    mean = sum_ref[...] * (1.0 / n_real)
    var = sq_ref[...] * (1.0 / n_real) - mean * mean
    scale = lax.rsqrt(var + 1e-5) * g_ref[...]
    h = (h_ref[...] - mean) * scale + bt_ref[...]
    h = jnp.maximum(h, 0.0)
    hw = jnp.dot(h, w_ref[...], preferred_element_type=jnp.float32)
    y_ref[...] = hw * di_ref[...]

  return pl.pallas_call(
      body,
      grid=(n_pad // _BLK,),
      in_specs=[
          pl.BlockSpec((_BLK, d_hid), lambda i: (i, 0)),
          pl.BlockSpec((1, d_hid), lambda i: (0, 0)),
          pl.BlockSpec((1, d_hid), lambda i: (0, 0)),
          pl.BlockSpec((1, d_hid), lambda i: (0, 0)),
          pl.BlockSpec((1, d_hid), lambda i: (0, 0)),
          pl.BlockSpec((d_hid, d_out), lambda i: (0, 0)),
          pl.BlockSpec((_BLK, 1), lambda i: (i, 0)),
      ],
      out_specs=pl.BlockSpec((_BLK, d_out), lambda i: (i, 0)),
      out_shape=jax.ShapeDtypeStruct((n_pad, d_out), jnp.float32),
  )(h_pre, ssum, ssq, gamma, beta, w2, dinv)


def _tc_finish(s2, y2, dinv, b2, n_pad, d2, d_out):

  def body(s_ref, y_ref, di_ref, b_ref, o_ref):
    full = di_ref[...] * (jnp.sum(s_ref[...], axis=0) + y_ref[...])
    o_ref[...] = full[:, :d_out] + b_ref[...]

  return pl.pallas_call(
      body,
      grid=(n_pad // _BLK,),
      in_specs=[
          pl.BlockSpec((_NC, _BLK, d2), lambda i: (0, i, 0)),
          pl.BlockSpec((_BLK, d2), lambda i: (i, 0)),
          pl.BlockSpec((_BLK, 1), lambda i: (i, 0)),
          pl.BlockSpec((1, d_out), lambda i: (0, 0)),
      ],
      out_specs=pl.BlockSpec((_BLK, d_out), lambda i: (i, 0)),
      out_shape=jax.ShapeDtypeStruct((n_pad, d_out), jnp.float32),
  )(s2, y2, dinv, b2)


def kernel(x, edge_index, W1, b1, gamma, beta, W2, b2):
  n, d_in = x.shape
  d_hid = W1.shape[1]
  d_out = W2.shape[1]
  e = edge_index.shape[1]

  row_unit = _NS * _K
  n_pad = ((n + 64 + row_unit - 1) // row_unit) * row_unit
  e_unit = _NW * _K
  e_pad = ((e + e_unit - 1) // e_unit) * e_unit
  n_chunks = e_pad // (_NW * _K)

  pad = jnp.arange(e_pad - e, dtype=jnp.int32) % 64 + n
  src = jnp.concatenate([edge_index[0], pad]).reshape(_NW, n_chunks, _K)
  dst = jnp.concatenate([edge_index[1], pad]).reshape(_NW, n_chunks, _K)

  d2 = max(d_out, 128)
  w2p = jnp.pad(W2, ((0, 0), (0, d2 - d_out)))
  b2p = jnp.pad(b2, (0, d2 - d_out))

  xp = jnp.pad(x, ((0, n_pad - n), (0, 0)))
  b1r = b1.reshape(1, d_hid)
  b2r = b2.reshape(1, d_out)
  gr = gamma.reshape(1, d_hid)
  br = beta.reshape(1, d_hid)

  deg = _sc_degree(dst, n_pad, n_chunks).reshape(_NC, n_pad, 1)
  y1, dinv = _tc_y1(xp, W1, deg, n_pad, d_in, d_hid)
  s1 = _sc_scatter(y1, src, dst, n_pad, d_hid, n_chunks)
  h_pre, ssum, ssq = _tc_combine_stats(s1, y1, dinv, b1r, n, n_pad, d_hid)
  y2 = _tc_bn_relu_y2(h_pre, ssum, ssq, gr, br, w2p, dinv, n, n_pad, d_hid,
                      d2)
  s2 = _sc_scatter(y2, src, dst, n_pad, d2, n_chunks)
  out = _tc_finish(s2, y2, dinv, b2r, n_pad, d2, d_out)
  return out[:n]

# --- scband reference (transcript-rebuilt; emitter-appended) ---
"""Pipeline reference for scband-gcnnet-80676665688560 (READ-ONLY COPY).

The authoritative reference and input builder live on the scoring server;
editing this copy changes nothing except your own understanding.
"""

import jax, jax.numpy as jnp
import numpy as np

N = 10000
E = 320000
D_IN = 128
D_HID = 128
D_OUT = 64


def setup_inputs(seed: int = 0) -> dict:
    key = jax.random.key(seed)
    ks = jax.random.split(key, 6)
    x = jax.random.normal(ks[0], (N, D_IN), dtype=jnp.float32)
    edge_index = jax.random.randint(ks[1], (2, E), 0, N, dtype=jnp.int32)
    W1 = jax.random.normal(ks[2], (D_IN, D_HID), dtype=jnp.float32) * 0.05
    b1 = jnp.zeros((D_HID,), dtype=jnp.float32)
    gamma = jnp.ones((D_HID,), dtype=jnp.float32)
    beta = jnp.zeros((D_HID,), dtype=jnp.float32)
    W2 = jax.random.normal(ks[3], (D_HID, D_OUT), dtype=jnp.float32) * 0.05
    b2 = jnp.zeros((D_OUT,), dtype=jnp.float32)
    return {"x": x, "edge_index": edge_index, "W1": W1, "b1": b1,
            "gamma": gamma, "beta": beta, "W2": W2, "b2": b2}


def _gcn_conv(x, edge_index, W, b):
    # PyG GCNConv: add self-loops, symmetric normalization D^-1/2 (A+I) D^-1/2 X W + b
    n = x.shape[0]
    loop = jnp.arange(n, dtype=edge_index.dtype)
    src = jnp.concatenate([edge_index[0], loop])
    dst = jnp.concatenate([edge_index[1], loop])
    deg = jnp.zeros((n,), dtype=jnp.float32).at[dst].add(1.0)
    dinv = jnp.where(deg > 0, jax.lax.rsqrt(deg), 0.0)
    norm = dinv[src] * dinv[dst]
    xw = x @ W
    msg = xw[src] * norm[:, None]
    out = jnp.zeros((n, W.shape[1]), dtype=jnp.float32).at[dst].add(msg)
    return out + b


def reference(x, edge_index, W1, b1, gamma, beta, W2, b2):
    h = _gcn_conv(x, edge_index, W1, b1)
    # BatchNorm1d with batch statistics (deterministic reference)
    mean = jnp.mean(h, axis=0)
    var = jnp.var(h, axis=0)
    h = (h - mean) * jax.lax.rsqrt(var + 1e-5) * gamma + beta
    h = jax.nn.relu(h)
    # dropout is identity in deterministic/eval reference
    out = _gcn_conv(h, edge_index, W2, b2)
    return out

if __name__ == "__main__":
    import jax
    _d = setup_inputs()
    print(jax.jit(kernel)(*tuple(_d.values())))

</pallas_src>

<mosaic_0001>
#map = affine_map<(d0, d1) -> (0, 0, 0)>
#map1 = affine_map<(d0, d1) -> (0, 0)>
module attributes {stable_mosaic.version = 14 : i64} {
  func.func @k(%arg0: i32, %arg1: i32, %arg2: memref<32x79x128xi32, #tpu.memory_space<hbm>>, %arg3: memref<2x10240xf32, #tpu.memory_space<hbm>>, %arg4: memref<79x128xi32, #tpu.memory_space<vmem>>, %arg5: memref<128xf32, #tpu.memory_space<vmem>>, %arg6: memref<10240xf32, #tpu.memory_space<vmem_shared>>) attributes {dimension_semantics = [#tpu.dimension_semantics<core_parallel>, #tpu.dimension_semantics<subcore_parallel>], iteration_bounds = array<i64: 2, 16>, scalar_prefetch = 0 : i64, scratch_operands = 3 : i64, tpu.core_type = #tpu.core_type<sc_vector_subcore>, window_params = [{transform_indices = #map}, {transform_indices = #map1}]} {
    %mul3A = arith.constant 16 : i32
    %mul3A_0 = arith.muli %arg0, %mul3A : i32
    %add3A = arith.addi %mul3A_0, %arg1 : i32
    "tpu.region"() ({
      %run_scoped3A = tpu.sem_alloc : memref<!tpu.dma_semaphore, #tpu.memory_space<semaphore_mem>>
      %dma_start3A = arith.constant 0 : i32
      %dma_start3A_43 = arith.constant 0 : i32
      %dma_start3A_44 = tpu.memref_slice %arg2[%add3A, %dma_start3A, %dma_start3A_43] : memref<32x79x128xi32, #tpu.memory_space<hbm>> -> memref<1x79x128xi32, #tpu.memory_space<hbm>>
      %dma_start3A_45 = tpu.memref_squeeze %dma_start3A_44 : memref<1x79x128xi32, #tpu.memory_space<hbm>> -> memref<79x128xi32, #tpu.memory_space<hbm>>
      %dma_start3A_46 = arith.constant 0 : i32
      %dma_start3A_47 = arith.constant 0 : i32
      %dma_start3A_48 = tpu.memref_slice %arg2[%add3A, %dma_start3A_46, %dma_start3A_47] : memref<32x79x128xi32, #tpu.memory_space<hbm>> -> memref<1x79x128xi32, #tpu.memory_space<hbm>>
      %dma_start3A_49 = tpu.memref_squeeze %dma_start3A_48 : memref<1x79x128xi32, #tpu.memory_space<hbm>> -> memref<79x128xi32, #tpu.memory_space<hbm>>
      tpu.enqueue_dma source(%dma_start3A_49 : memref<79x128xi32, #tpu.memory_space<hbm>>) target(%arg4 : memref<79x128xi32, #tpu.memory_space<vmem>>) target_semaphore(%run_scoped3A : memref<!tpu.dma_semaphore, #tpu.memory_space<semaphore_mem>>)
      %dma_wait3A = arith.constant 0 : i32
      %dma_wait3A_50 = arith.constant 0 : i32
      %dma_wait3A_51 = tpu.memref_slice %arg2[%add3A, %dma_wait3A, %dma_wait3A_50] : memref<32x79x128xi32, #tpu.memory_space<hbm>> -> memref<1x79x128xi32, #tpu.memory_space<hbm>>
      %dma_wait3A_52 = tpu.memref_squeeze %dma_wait3A_51 : memref<1x79x128xi32, #tpu.memory_space<hbm>> -> memref<79x128xi32, #tpu.memory_space<hbm>>
      %dma_wait3A_53 = arith.constant 0 : i32
      %dma_wait3A_54 = arith.constant 0 : i32
      %dma_wait3A_55 = tpu.memref_slice %arg2[%add3A, %dma_wait3A_53, %dma_wait3A_54] : memref<32x79x128xi32, #tpu.memory_space<hbm>> -> memref<1x79x128xi32, #tpu.memory_space<hbm>>
      %dma_wait3A_56 = tpu.memref_squeeze %dma_wait3A_55 : memref<1x79x128xi32, #tpu.memory_space<hbm>> -> memref<79x128xi32, #tpu.memory_space<hbm>>
      tpu.wait_dma2 semaphore(%run_scoped3A : memref<!tpu.dma_semaphore, #tpu.memory_space<semaphore_mem>>) src(%dma_wait3A_56 : memref<79x128xi32, #tpu.memory_space<hbm>>) dst(%arg4 : memref<79x128xi32, #tpu.memory_space<vmem>>)
      tpu.yield
    }) : () -> ()
    %scan3A = arith.constant 0 : i32
    %scan3A_1 = arith.constant 0 : i32
    %scan3A_2 = arith.constant 8 : i32
    %scan3A_3 = arith.addi %scan3A_1, %scan3A_2 : i32
    %scan3A_4 = arith.constant 1 : i32
    scf.for %scan3A_43 = %scan3A_1 to %scan3A_3 step %scan3A_4  : i32 {
      %broadcast_in_dim3A = arith.constant 0.000000e+00 : f32
      %broadcast_in_dim3A_44 = vector.broadcast %broadcast_in_dim3A : f32 to vector<16xf32>
      %mul3A_45 = arith.constant 16 : i32
      %mul3A_46 = arith.muli %scan3A_43, %mul3A_45 : i32
      %swap3A = arith.index_cast %mul3A_46 : i32 to index
      %swap3A_47 = tpu.vector_load %arg5[%swap3A] {strides = array<i32>} : memref<128xf32, #tpu.memory_space<vmem>>, vector<16xf32>,
      %swap3A_48 = vector.shape_cast %swap3A_47 : vector<16xf32> to vector<16xf32>
      %swap3A_49 = vector.shape_cast %broadcast_in_dim3A_44 : vector<16xf32> to vector<16xf32>
      tpu.vector_store %arg5[%swap3A], %swap3A_49 {strides = array<i32>} : memref<128xf32, #tpu.memory_space<vmem>>, vector<16xf32>,
    }
    %scan3A_5 = arith.constant 8 : i32
    %mul3A_6 = arith.constant 640 : i32
    %mul3A_7 = arith.muli %arg1, %mul3A_6 : i32
    %add3A_8 = arith.constant 0 : i32
    %add3A_9 = arith.addi %mul3A_7, %add3A_8 : i32
    "tpu.region"() ({
      %run_scoped3A = tpu.sem_alloc : memref<!tpu.dma_semaphore, #tpu.memory_space<semaphore_mem>>
      %dma_start3A = tpu.memref_slice %arg6[%add3A_9] : memref<10240xf32, #tpu.memory_space<vmem_shared>> -> memref<128xf32, #tpu.memory_space<vmem_shared>>
      %dma_start3A_43 = tpu.memref_slice %arg6[%add3A_9] : memref<10240xf32, #tpu.memory_space<vmem_shared>> -> memref<128xf32, #tpu.memory_space<vmem_shared>>
      tpu.enqueue_dma source(%arg5 : memref<128xf32, #tpu.memory_space<vmem>>) target(%dma_start3A_43 : memref<128xf32, #tpu.memory_space<vmem_shared>>) target_semaphore(%run_scoped3A : memref<!tpu.dma_semaphore, #tpu.memory_space<semaphore_mem>>)
      %dma_wait3A = tpu.memref_slice %arg6[%add3A_9] : memref<10240xf32, #tpu.memory_space<vmem_shared>> -> memref<128xf32, #tpu.memory_space<vmem_shared>>
      %dma_wait3A_44 = tpu.memref_slice %arg6[%add3A_9] : memref<10240xf32, #tpu.memory_space<vmem_shared>> -> memref<128xf32, #tpu.memory_space<vmem_shared>>
      tpu.wait_dma2 semaphore(%run_scoped3A : memref<!tpu.dma_semaphore, #tpu.memory_space<semaphore_mem>>) src(%arg5 : memref<128xf32, #tpu.memory_space<vmem>>) dst(%dma_wait3A_44 : memref<128xf32, #tpu.memory_space<vmem_shared>>)
      tpu.yield
    }) : () -> ()
    %mul3A_10 = arith.constant 640 : i32
    %mul3A_11 = arith.muli %arg1, %mul3A_10 : i32
    %add3A_12 = arith.constant 128 : i32
    %add3A_13 = arith.addi %mul3A_11, %add3A_12 : i32
    "tpu.region"() ({
      %run_scoped3A = tpu.sem_alloc : memref<!tpu.dma_semaphore, #tpu.memory_space<semaphore_mem>>
      %dma_start3A = tpu.memref_slice %arg6[%add3A_13] : memref<10240xf32, #tpu.memory_space<vmem_shared>> -> memref<128xf32, #tpu.memory_space<vmem_shared>>
      %dma_start3A_43 = tpu.memref_slice %arg6[%add3A_13] : memref<10240xf32, #tpu.memory_space<vmem_shared>> -> memref<128xf32, #tpu.memory_space<vmem_shared>>
      tpu.enqueue_dma source(%arg5 : memref<128xf32, #tpu.memory_space<vmem>>) target(%dma_start3A_43 : memref<128xf32, #tpu.memory_space<vmem_shared>>) target_semaphore(%run_scoped3A : memref<!tpu.dma_semaphore, #tpu.memory_space<semaphore_mem>>)
      %dma_wait3A = tpu.memref_slice %arg6[%add3A_13] : memref<10240xf32, #tpu.memory_space<vmem_shared>> -> memref<128xf32, #tpu.memory_space<vmem_shared>>
      %dma_wait3A_44 = tpu.memref_slice %arg6[%add3A_13] : memref<10240xf32, #tpu.memory_space<vmem_shared>> -> memref<128xf32, #tpu.memory_space<vmem_shared>>
      tpu.wait_dma2 semaphore(%run_scoped3A : memref<!tpu.dma_semaphore, #tpu.memory_space<semaphore_mem>>) src(%arg5 : memref<128xf32, #tpu.memory_space<vmem>>) dst(%dma_wait3A_44 : memref<128xf32, #tpu.memory_space<vmem_shared>>)
      tpu.yield
    }) : () -> ()
    %mul3A_14 = arith.constant 640 : i32
    %mul3A_15 = arith.muli %arg1, %mul3A_14 : i32
    %add3A_16 = arith.constant 256 : i32
    %add3A_17 = arith.addi %mul3A_15, %add3A_16 : i32
    "tpu.region"() ({
      %run_scoped3A = tpu.sem_alloc : memref<!tpu.dma_semaphore, #tpu.memory_space<semaphore_mem>>
      %dma_start3A = tpu.memref_slice %arg6[%add3A_17] : memref<10240xf32, #tpu.memory_space<vmem_shared>> -> memref<128xf32, #tpu.memory_space<vmem_shared>>
      %dma_start3A_43 = tpu.memref_slice %arg6[%add3A_17] : memref<10240xf32, #tpu.memory_space<vmem_shared>> -> memref<128xf32, #tpu.memory_space<vmem_shared>>
      tpu.enqueue_dma source(%arg5 : memref<128xf32, #tpu.memory_space<vmem>>) target(%dma_start3A_43 : memref<128xf32, #tpu.memory_space<vmem_shared>>) target_semaphore(%run_scoped3A : memref<!tpu.dma_semaphore, #tpu.memory_space<semaphore_mem>>)
      %dma_wait3A = tpu.memref_slice %arg6[%add3A_17] : memref<10240xf32, #tpu.memory_space<vmem_shared>> -> memref<128xf32, #tpu.memory_space<vmem_shared>>
      %dma_wait3A_44 = tpu.memref_slice %arg6[%add3A_17] : memref<10240xf32, #tpu.memory_space<vmem_shared>> -> memref<128xf32, #tpu.memory_space<vmem_shared>>
      tpu.wait_dma2 semaphore(%run_scoped3A : memref<!tpu.dma_semaphore, #tpu.memory_space<semaphore_mem>>) src(%arg5 : memref<128xf32, #tpu.memory_space<vmem>>) dst(%dma_wait3A_44 : memref<128xf32, #tpu.memory_space<vmem_shared>>)
      tpu.yield
    }) : () -> ()
    %mul3A_18 = arith.constant 640 : i32
    %mul3A_19 = arith.muli %arg1, %mul3A_18 : i32
    %add3A_20 = arith.constant 384 : i32
    %add3A_21 = arith.addi %mul3A_19, %add3A_20 : i32
    "tpu.region"() ({
      %run_scoped3A = tpu.sem_alloc : memref<!tpu.dma_semaphore, #tpu.memory_space<semaphore_mem>>
      %dma_start3A = tpu.memref_slice %arg6[%add3A_21] : memref<10240xf32, #tpu.memory_space<vmem_shared>> -> memref<128xf32, #tpu.memory_space<vmem_shared>>
      %dma_start3A_43 = tpu.memref_slice %arg6[%add3A_21] : memref<10240xf32, #tpu.memory_space<vmem_shared>> -> memref<128xf32, #tpu.memory_space<vmem_shared>>
      tpu.enqueue_dma source(%arg5 : memref<128xf32, #tpu.memory_space<vmem>>) target(%dma_start3A_43 : memref<128xf32, #tpu.memory_space<vmem_shared>>) target_semaphore(%run_scoped3A : memref<!tpu.dma_semaphore, #tpu.memory_space<semaphore_mem>>)
      %dma_wait3A = tpu.memref_slice %arg6[%add3A_21] : memref<10240xf32, #tpu.memory_space<vmem_shared>> -> memref<128xf32, #tpu.memory_space<vmem_shared>>
      %dma_wait3A_44 = tpu.memref_slice %arg6[%add3A_21] : memref<10240xf32, #tpu.memory_space<vmem_shared>> -> memref<128xf32, #tpu.memory_space<vmem_shared>>
      tpu.wait_dma2 semaphore(%run_scoped3A : memref<!tpu.dma_semaphore, #tpu.memory_space<semaphore_mem>>) src(%arg5 : memref<128xf32, #tpu.memory_space<vmem>>) dst(%dma_wait3A_44 : memref<128xf32, #tpu.memory_space<vmem_shared>>)
      tpu.yield
    }) : () -> ()
    %mul3A_22 = arith.constant 640 : i32
    %mul3A_23 = arith.muli %arg1, %mul3A_22 : i32
    %add3A_24 = arith.constant 512 : i32
    %add3A_25 = arith.addi %mul3A_23, %add3A_24 : i32
    "tpu.region"() ({
      %run_scoped3A = tpu.sem_alloc : memref<!tpu.dma_semaphore, #tpu.memory_space<semaphore_mem>>
      %dma_start3A = tpu.memref_slice %arg6[%add3A_25] : memref<10240xf32, #tpu.memory_space<vmem_shared>> -> memref<128xf32, #tpu.memory_space<vmem_shared>>
      %dma_start3A_43 = tpu.memref_slice %arg6[%add3A_25] : memref<10240xf32, #tpu.memory_space<vmem_shared>> -> memref<128xf32, #tpu.memory_space<vmem_shared>>
      tpu.enqueue_dma source(%arg5 : memref<128xf32, #tpu.memory_space<vmem>>) target(%dma_start3A_43 : memref<128xf32, #tpu.memory_space<vmem_shared>>) target_semaphore(%run_scoped3A : memref<!tpu.dma_semaphore, #tpu.memory_space<semaphore_mem>>)
      %dma_wait3A = tpu.memref_slice %arg6[%add3A_25] : memref<10240xf32, #tpu.memory_space<vmem_shared>> -> memref<128xf32, #tpu.memory_space<vmem_shared>>
      %dma_wait3A_44 = tpu.memref_slice %arg6[%add3A_25] : memref<10240xf32, #tpu.memory_space<vmem_shared>> -> memref<128xf32, #tpu.memory_space<vmem_shared>>
      tpu.wait_dma2 semaphore(%run_scoped3A : memref<!tpu.dma_semaphore, #tpu.memory_space<semaphore_mem>>) src(%arg5 : memref<128xf32, #tpu.memory_space<vmem>>) dst(%dma_wait3A_44 : memref<128xf32, #tpu.memory_space<vmem_shared>>)
      tpu.yield
    }) : () -> ()
    %scan3A_26 = arith.constant 0 : i32
    %scan3A_27 = arith.constant 0 : i32
    %scan3A_28 = arith.constant 8 : i32
    %scan3A_29 = arith.addi %scan3A_27, %scan3A_28 : i32
    %scan3A_30 = arith.constant 1 : i32
    scf.for %scan3A_43 = %scan3A_27 to %scan3A_29 step %scan3A_30  : i32 {
      %broadcast_in_dim3A = arith.constant 1.000000e+00 : f32
      %broadcast_in_dim3A_44 = vector.broadcast %broadcast_in_dim3A : f32 to vector<16xf32>
      %mul3A_45 = arith.constant 16 : i32
      %mul3A_46 = arith.muli %scan3A_43, %mul3A_45 : i32
      %swap3A = arith.index_cast %mul3A_46 : i32 to index
      %swap3A_47 = tpu.vector_load %arg5[%swap3A] {strides = array<i32>} : memref<128xf32, #tpu.memory_space<vmem>>, vector<16xf32>,
      %swap3A_48 = vector.shape_cast %swap3A_47 : vector<16xf32> to vector<16xf32>
      %swap3A_49 = vector.shape_cast %broadcast_in_dim3A_44 : vector<16xf32> to vector<16xf32>
      tpu.vector_store %arg5[%swap3A], %swap3A_49 {strides = array<i32>} : memref<128xf32, #tpu.memory_space<vmem>>, vector<16xf32>,
    }
    %scan3A_31 = arith.constant 8 : i32
    %barrier3A = arith.constant 0 : index
    tpu.barrier barrier_id(%barrier3A)
    %scan3A_32 = arith.constant 0 : i32
    %scan3A_33 = arith.constant 0 : i32
    %scan3A_34 = arith.constant 79 : i32
    %scan3A_35 = arith.addi %scan3A_33, %scan3A_34 : i32
    %scan3A_36 = arith.constant 1 : i32
    scf.for %scan3A_43 = %scan3A_33 to %scan3A_35 step %scan3A_36  : i32 {
      "tpu.region"() ({
        %run_scoped3A = tpu.sem_alloc : memref<!tpu.dma_semaphore, #tpu.memory_space<semaphore_mem>>
        %dma_start3A = arith.constant 0 : i32
        %dma_start3A_44 = tpu.memref_slice %arg4[%scan3A_43, %dma_start3A] : memref<79x128xi32, #tpu.memory_space<vmem>> -> memref<1x128xi32, #tpu.memory_space<vmem>>
        %dma_start3A_45 = tpu.memref_squeeze %dma_start3A_44 : memref<1x128xi32, #tpu.memory_space<vmem>> -> memref<128xi32, #tpu.memory_space<vmem>>
        %dma_start3A_46 = arith.constant 0 : i32
        %dma_start3A_47 = tpu.memref_slice %arg6[%dma_start3A_46] : memref<10240xf32, #tpu.memory_space<vmem_shared>> -> memref<10240xf32, #tpu.memory_space<vmem_shared>>
        tpu.enqueue_indirect_dma source(%arg5 : memref<128xf32, #tpu.memory_space<vmem>>) target(%dma_start3A_47 : memref<10240xf32, #tpu.memory_space<vmem_shared>>) offsets(%dma_start3A_45 : memref<128xi32, #tpu.memory_space<vmem>>) semaphore(%run_scoped3A : memref<!tpu.dma_semaphore, #tpu.memory_space<semaphore_mem>>) {add = true}
        %dma_wait3A = arith.constant 0 : i32
        %dma_wait3A_48 = tpu.memref_slice %arg4[%scan3A_43, %dma_wait3A] : memref<79x128xi32, #tpu.memory_space<vmem>> -> memref<1x128xi32, #tpu.memory_space<vmem>>
        %dma_wait3A_49 = tpu.memref_squeeze %dma_wait3A_48 : memref<1x128xi32, #tpu.memory_space<vmem>> -> memref<128xi32, #tpu.memory_space<vmem>>
        %dma_wait3A_50 = arith.constant 0 : i32
        %dma_wait3A_51 = tpu.memref_slice %arg6[%dma_wait3A_50] : memref<10240xf32, #tpu.memory_space<vmem_shared>> -> memref<10240xf32, #tpu.memory_space<vmem_shared>>
        tpu.wait_indirect_dma semaphore(%run_scoped3A : memref<!tpu.dma_semaphore, #tpu.memory_space<semaphore_mem>>) src(%arg5 : memref<128xf32, #tpu.memory_space<vmem>>) dst(%dma_wait3A_51 : memref<10240xf32, #tpu.memory_space<vmem_shared>>)
        tpu.yield
      }) : () -> ()
    }
    %scan3A_37 = arith.constant 79 : i32
    %barrier3A_38 = arith.constant 0 : index
    tpu.barrier barrier_id(%barrier3A_38)
    %mul3A_39 = arith.constant 640 : i32
    %mul3A_40 = arith.muli %arg1, %mul3A_39 : i32
    %mul3A_41 = arith.constant 640 : i32
    %mul3A_42 = arith.muli %arg1, %mul3A_41 : i32
    "tpu.region"() ({
      %run_scoped3A = tpu.sem_alloc : memref<!tpu.dma_semaphore, #tpu.memory_space<semaphore_mem>>
      %dma_start3A = tpu.memref_slice %arg3[%arg0, %mul3A_42] : memref<2x10240xf32, #tpu.memory_space<hbm>> -> memref<1x640xf32, #tpu.memory_space<hbm>>
      %dma_start3A_43 = tpu.memref_squeeze %dma_start3A : memref<1x640xf32, #tpu.memory_space<hbm>> -> memref<640xf32, #tpu.memory_space<hbm>>
      %dma_start3A_44 = tpu.memref_slice %arg6[%mul3A_40] : memref<10240xf32, #tpu.memory_space<vmem_shared>> -> memref<640xf32, #tpu.memory_space<vmem_shared>>
      tpu.enqueue_dma source(%dma_start3A_44 : memref<640xf32, #tpu.memory_space<vmem_shared>>) target(%dma_start3A_43 : memref<640xf32, #tpu.memory_space<hbm>>) target_semaphore(%run_scoped3A : memref<!tpu.dma_semaphore, #tpu.memory_space<semaphore_mem>>)
      %dma_wait3A = tpu.memref_slice %arg3[%arg0, %mul3A_42] : memref<2x10240xf32, #tpu.memory_space<hbm>> -> memref<1x640xf32, #tpu.memory_space<hbm>>
      %dma_wait3A_45 = tpu.memref_squeeze %dma_wait3A : memref<1x640xf32, #tpu.memory_space<hbm>> -> memref<640xf32, #tpu.memory_space<hbm>>
      %dma_wait3A_46 = tpu.memref_slice %arg6[%mul3A_40] : memref<10240xf32, #tpu.memory_space<vmem_shared>> -> memref<640xf32, #tpu.memory_space<vmem_shared>>
      tpu.wait_dma2 semaphore(%run_scoped3A : memref<!tpu.dma_semaphore, #tpu.memory_space<semaphore_mem>>) src(%dma_wait3A_46 : memref<640xf32, #tpu.memory_space<vmem_shared>>) dst(%dma_wait3A_45 : memref<640xf32, #tpu.memory_space<hbm>>)
      tpu.yield
    }) : () -> ()
    return
  }
}

#map = affine_map<(d0, d1) -> (0, 0)>
#map1 = affine_map<(d0, d1) -> (0, 0, 0)>
module attributes {stable_mosaic.version = 14 : i64} {
  func.func @k(%arg0: i32, %arg1: i32, %arg2: memref<10240x128xf32, #tpu.memory_space<hbm>>, %arg3: memref<32x79x128xi32, #tpu.memory_space<hbm>>, %arg4: memref<32x79x128xi32, #tpu.memory_space<hbm>>, %arg5: memref<2x10240x128xf32, #tpu.memory_space<hbm>>, %arg6: memref<79x128xi32, #tpu.memory_space<vmem>>, %arg7: memref<79x128xi32, #tpu.memory_space<vmem>>, %arg8: memref<128x128xf32, #tpu.memory_space<vmem>>, %arg9: memref<!tpu.dma_semaphore, #tpu.memory_space<semaphore_mem>>, %arg10: memref<10240x128xf32, #tpu.memory_space<vmem_shared>>) attributes {dimension_semantics = [#tpu.dimension_semantics<core_parallel>, #tpu.dimension_semantics<subcore_parallel>], iteration_bounds = array<i64: 2, 16>, scalar_prefetch = 0 : i64, scratch_operands = 5 : i64, tpu.core_type = #tpu.core_type<sc_vector_subcore>, window_params = [{transform_indices = #map}, {transform_indices = #map1}, {transform_indices = #map1}, {transform_indices = #map1}]} {
    %mul3A = arith.constant 16 : i32
    %mul3A_0 = arith.muli %arg0, %mul3A : i32
    %add3A = arith.addi %mul3A_0, %arg1 : i32
    "tpu.region"() ({
      %run_scoped3A = tpu.sem_alloc : memref<!tpu.dma_semaphore, #tpu.memory_space<semaphore_mem>>
      %dma_start3A = arith.constant 0 : i32
      %dma_start3A_37 = arith.constant 0 : i32
      %dma_start3A_38 = tpu.memref_slice %arg3[%add3A, %dma_start3A, %dma_start3A_37] : memref<32x79x128xi32, #tpu.memory_space<hbm>> -> memref<1x79x128xi32, #tpu.memory_space<hbm>>
      %dma_start3A_39 = tpu.memref_squeeze %dma_start3A_38 : memref<1x79x128xi32, #tpu.memory_space<hbm>> -> memref<79x128xi32, #tpu.memory_space<hbm>>
      %dma_start3A_40 = arith.constant 0 : i32
      %dma_start3A_41 = arith.constant 0 : i32
      %dma_start3A_42 = tpu.memref_slice %arg3[%add3A, %dma_start3A_40, %dma_start3A_41] : memref<32x79x128xi32, #tpu.memory_space<hbm>> -> memref<1x79x128xi32, #tpu.memory_space<hbm>>
      %dma_start3A_43 = tpu.memref_squeeze %dma_start3A_42 : memref<1x79x128xi32, #tpu.memory_space<hbm>> -> memref<79x128xi32, #tpu.memory_space<hbm>>
      tpu.enqueue_dma source(%dma_start3A_43 : memref<79x128xi32, #tpu.memory_space<hbm>>) target(%arg6 : memref<79x128xi32, #tpu.memory_space<vmem>>) target_semaphore(%run_scoped3A : memref<!tpu.dma_semaphore, #tpu.memory_space<semaphore_mem>>)
      %dma_wait3A = arith.constant 0 : i32
      %dma_wait3A_44 = arith.constant 0 : i32
      %dma_wait3A_45 = tpu.memref_slice %arg3[%add3A, %dma_wait3A, %dma_wait3A_44] : memref<32x79x128xi32, #tpu.memory_space<hbm>> -> memref<1x79x128xi32, #tpu.memory_space<hbm>>
      %dma_wait3A_46 = tpu.memref_squeeze %dma_wait3A_45 : memref<1x79x128xi32, #tpu.memory_space<hbm>> -> memref<79x128xi32, #tpu.memory_space<hbm>>
      %dma_wait3A_47 = arith.constant 0 : i32
      %dma_wait3A_48 = arith.constant 0 : i32
      %dma_wait3A_49 = tpu.memref_slice %arg3[%add3A, %dma_wait3A_47, %dma_wait3A_48] : memref<32x79x128xi32, #tpu.memory_space<hbm>> -> memref<1x79x128xi32, #tpu.memory_space<hbm>>
      %dma_wait3A_50 = tpu.memref_squeeze %dma_wait3A_49 : memref<1x79x128xi32, #tpu.memory_space<hbm>> -> memref<79x128xi32, #tpu.memory_space<hbm>>
      tpu.wait_dma2 semaphore(%run_scoped3A : memref<!tpu.dma_semaphore, #tpu.memory_space<semaphore_mem>>) src(%dma_wait3A_50 : memref<79x128xi32, #tpu.memory_space<hbm>>) dst(%arg6 : memref<79x128xi32, #tpu.memory_space<vmem>>)
      tpu.yield
    }) : () -> ()
    "tpu.region"() ({
      %run_scoped3A = tpu.sem_alloc : memref<!tpu.dma_semaphore, #tpu.memory_space<semaphore_mem>>
      %dma_start3A = arith.constant 0 : i32
      %dma_start3A_37 = arith.constant 0 : i32
      %dma_start3A_38 = tpu.memref_slice %arg4[%add3A, %dma_start3A, %dma_start3A_37] : memref<32x79x128xi32, #tpu.memory_space<hbm>> -> memref<1x79x128xi32, #tpu.memory_space<hbm>>
      %dma_start3A_39 = tpu.memref_squeeze %dma_start3A_38 : memref<1x79x128xi32, #tpu.memory_space<hbm>> -> memref<79x128xi32, #tpu.memory_space<hbm>>
      %dma_start3A_40 = arith.constant 0 : i32
      %dma_start3A_41 = arith.constant 0 : i32
      %dma_start3A_42 = tpu.memref_slice %arg4[%add3A, %dma_start3A_40, %dma_start3A_41] : memref<32x79x128xi32, #tpu.memory_space<hbm>> -> memref<1x79x128xi32, #tpu.memory_space<hbm>>
      %dma_start3A_43 = tpu.memref_squeeze %dma_start3A_42 : memref<1x79x128xi32, #tpu.memory_space<hbm>> -> memref<79x128xi32, #tpu.memory_space<hbm>>
      tpu.enqueue_dma source(%dma_start3A_43 : memref<79x128xi32, #tpu.memory_space<hbm>>) target(%arg7 : memref<79x128xi32, #tpu.memory_space<vmem>>) target_semaphore(%run_scoped3A : memref<!tpu.dma_semaphore, #tpu.memory_space<semaphore_mem>>)
      %dma_wait3A = arith.constant 0 : i32
      %dma_wait3A_44 = arith.constant 0 : i32
      %dma_wait3A_45 = tpu.memref_slice %arg4[%add3A, %dma_wait3A, %dma_wait3A_44] : memref<32x79x128xi32, #tpu.memory_space<hbm>> -> memref<1x79x128xi32, #tpu.memory_space<hbm>>
      %dma_wait3A_46 = tpu.memref_squeeze %dma_wait3A_45 : memref<1x79x128xi32, #tpu.memory_space<hbm>> -> memref<79x128xi32, #tpu.memory_space<hbm>>
      %dma_wait3A_47 = arith.constant 0 : i32
      %dma_wait3A_48 = arith.constant 0 : i32
      %dma_wait3A_49 = tpu.memref_slice %arg4[%add3A, %dma_wait3A_47, %dma_wait3A_48] : memref<32x79x128xi32, #tpu.memory_space<hbm>> -> memref<1x79x128xi32, #tpu.memory_space<hbm>>
      %dma_wait3A_50 = tpu.memref_squeeze %dma_wait3A_49 : memref<1x79x128xi32, #tpu.memory_space<hbm>> -> memref<79x128xi32, #tpu.memory_space<hbm>>
      tpu.wait_dma2 semaphore(%run_scoped3A : memref<!tpu.dma_semaphore, #tpu.memory_space<semaphore_mem>>) src(%dma_wait3A_50 : memref<79x128xi32, #tpu.memory_space<hbm>>) dst(%arg7 : memref<79x128xi32, #tpu.memory_space<vmem>>)
      tpu.yield
    }) : () -> ()
    %scan3A = arith.constant 0 : i32
    %scan3A_1 = arith.constant 0 : i32
    %scan3A_2 = arith.constant 128 : i32
    %scan3A_3 = arith.addi %scan3A_1, %scan3A_2 : i32
    %scan3A_4 = arith.constant 1 : i32
    scf.for %scan3A_37 = %scan3A_1 to %scan3A_3 step %scan3A_4  : i32 {
      %broadcast_in_dim3A = arith.constant 0.000000e+00 : f32
      %broadcast_in_dim3A_38 = vector.broadcast %broadcast_in_dim3A : f32 to vector<16xf32>
      %swap3A = arith.index_cast %scan3A_37 : i32 to index
      %swap3A_39 = arith.constant 0 : index
      %swap3A_40 = tpu.vector_load %arg8[%swap3A, %swap3A_39] {strides = array<i32>} : memref<128x128xf32, #tpu.memory_space<vmem>>, vector<1x16xf32>,
      %swap3A_41 = vector.shape_cast %swap3A_40 : vector<1x16xf32> to vector<16xf32>
      %swap3A_42 = vector.shape_cast %broadcast_in_dim3A_38 : vector<16xf32> to vector<1x16xf32>
      tpu.vector_store %arg8[%swap3A, %swap3A_39], %swap3A_42 {strides = array<i32>} : memref<128x128xf32, #tpu.memory_space<vmem>>, vector<1x16xf32>,
      %broadcast_in_dim3A_43 = arith.constant 0.000000e+00 : f32
      %broadcast_in_dim3A_44 = vector.broadcast %broadcast_in_dim3A_43 : f32 to vector<16xf32>
      %swap3A_45 = arith.index_cast %scan3A_37 : i32 to index
      %swap3A_46 = arith.constant 16 : index
      %swap3A_47 = tpu.vector_load %arg8[%swap3A_45, %swap3A_46] {strides = array<i32>} : memref<128x128xf32, #tpu.memory_space<vmem>>, vector<1x16xf32>,
      %swap3A_48 = vector.shape_cast %swap3A_47 : vector<1x16xf32> to vector<16xf32>
      %swap3A_49 = vector.shape_cast %broadcast_in_dim3A_44 : vector<16xf32> to vector<1x16xf32>
      tpu.vector_store %arg8[%swap3A_45, %swap3A_46], %swap3A_49 {strides = array<i32>} : memref<128x128xf32, #tpu.memory_space<vmem>>, vector<1x16xf32>,
      %broadcast_in_dim3A_50 = arith.constant 0.000000e+00 : f32
      %broadcast_in_dim3A_51 = vector.broadcast %broadcast_in_dim3A_50 : f32 to vector<16xf32>
      %swap3A_52 = arith.index_cast %scan3A_37 : i32 to index
      %swap3A_53 = arith.constant 32 : index
      %swap3A_54 = tpu.vector_load %arg8[%swap3A_52, %swap3A_53] {strides = array<i32>} : memref<128x128xf32, #tpu.memory_space<vmem>>, vector<1x16xf32>,
      %swap3A_55 = vector.shape_cast %swap3A_54 : vector<1x16xf32> to vector<16xf32>
      %swap3A_56 = vector.shape_cast %broadcast_in_dim3A_51 : vector<16xf32> to vector<1x16xf32>
      tpu.vector_store %arg8[%swap3A_52, %swap3A_53], %swap3A_56 {strides = array<i32>} : memref<128x128xf32, #tpu.memory_space<vmem>>, vector<1x16xf32>,
      %broadcast_in_dim3A_57 = arith.constant 0.000000e+00 : f32
      %broadcast_in_dim3A_58 = vector.broadcast %broadcast_in_dim3A_57 : f32 to vector<16xf32>
      %swap3A_59 = arith.index_cast %scan3A_37 : i32 to index
      %swap3A_60 = arith.constant 48 : index
      %swap3A_61 = tpu.vector_load %arg8[%swap3A_59, %swap3A_60] {strides = array<i32>} : memref<128x128xf32, #tpu.memory_space<vmem>>, vector<1x16xf32>,
      %swap3A_62 = vector.shape_cast %swap3A_61 : vector<1x16xf32> to vector<16xf32>
      %swap3A_63 = vector.shape_cast %broadcast_in_dim3A_58 : vector<16xf32> to vector<1x16xf32>
      tpu.vector_store %arg8[%swap3A_59, %swap3A_60], %swap3A_63 {strides = array<i32>} : memref<128x128xf32, #tpu.memory_space<vmem>>, vector<1x16xf32>,
      %broadcast_in_dim3A_64 = arith.constant 0.000000e+00 : f32
      %broadcast_in_dim3A_65 = vector.broadcast %broadcast_in_dim3A_64 : f32 to vector<16xf32>
      %swap3A_66 = arith.index_cast %scan3A_37 : i32 to index
      %swap3A_67 = arith.constant 64 : index
      %swap3A_68 = tpu.vector_load %arg8[%swap3A_66, %swap3A_67] {strides = array<i32>} : memref<128x128xf32, #tpu.memory_space<vmem>>, vector<1x16xf32>,
      %swap3A_69 = vector.shape_cast %swap3A_68 : vector<1x16xf32> to vector<16xf32>
      %swap3A_70 = vector.shape_cast %broadcast_in_dim3A_65 : vector<16xf32> to vector<1x16xf32>
      tpu.vector_store %arg8[%swap3A_66, %swap3A_67], %swap3A_70 {strides = array<i32>} : memref<128x128xf32, #tpu.memory_space<vmem>>, vector<1x16xf32>,
      %broadcast_in_dim3A_71 = arith.constant 0.000000e+00 : f32
      %broadcast_in_dim3A_72 = vector.broadcast %broadcast_in_dim3A_71 : f32 to vector<16xf32>
      %swap3A_73 = arith.index_cast %scan3A_37 : i32 to index
      %swap3A_74 = arith.constant 80 : index
      %swap3A_75 = tpu.vector_load %arg8[%swap3A_73, %swap3A_74] {strides = array<i32>} : memref<128x128xf32, #tpu.memory_space<vmem>>, vector<1x16xf32>,
      %swap3A_76 = vector.shape_cast %swap3A_75 : vector<1x16xf32> to vector<16xf32>
      %swap3A_77 = vector.shape_cast %broadcast_in_dim3A_72 : vector<16xf32> to vector<1x16xf32>
      tpu.vector_store %arg8[%swap3A_73, %swap3A_74], %swap3A_77 {strides = array<i32>} : memref<128x128xf32, #tpu.memory_space<vmem>>, vector<1x16xf32>,
      %broadcast_in_dim3A_78 = arith.constant 0.000000e+00 : f32
      %broadcast_in_dim3A_79 = vector.broadcast %broadcast_in_dim3A_78 : f32 to vector<16xf32>
      %swap3A_80 = arith.index_cast %scan3A_37 : i32 to index
      %swap3A_81 = arith.constant 96 : index
      %swap3A_82 = tpu.vector_load %arg8[%swap3A_80, %swap3A_81] {strides = array<i32>} : memref<128x128xf32, #tpu.memory_space<vmem>>, vector<1x16xf32>,
      %swap3A_83 = vector.shape_cast %swap3A_82 : vector<1x16xf32> to vector<16xf32>
      %swap3A_84 = vector.shape_cast %broadcast_in_dim3A_79 : vector<16xf32> to vector<1x16xf32>
      tpu.vector_store %arg8[%swap3A_80, %swap3A_81], %swap3A_84 {strides = array<i32>} : memref<128x128xf32, #tpu.memory_space<vmem>>, vector<1x16xf32>,
      %broadcast_in_dim3A_85 = arith.constant 0.000000e+00 : f32
      %broadcast_in_dim3A_86 = vector.broadcast %broadcast_in_dim3A_85 : f32 to vector<16xf32>
      %swap3A_87 = arith.index_cast %scan3A_37 : i32 to index
      %swap3A_88 = arith.constant 112 : index
      %swap3A_89 = tpu.vector_load %arg8[%swap3A_87, %swap3A_88] {strides = array<i32>} : memref<128x128xf32, #tpu.memory_space<vmem>>, vector<1x16xf32>,
      %swap3A_90 = vector.shape_cast %swap3A_89 : vector<1x16xf32> to vector<16xf32>
      %swap3A_91 = vector.shape_cast %broadcast_in_dim3A_86 : vector<16xf32> to vector<1x16xf32>
      tpu.vector_store %arg8[%swap3A_87, %swap3A_88], %swap3A_91 {strides = array<i32>} : memref<128x128xf32, #tpu.memory_space<vmem>>, vector<1x16xf32>,
    }
    %scan3A_5 = arith.constant 128 : i32
    %mul3A_6 = arith.constant 640 : i32
    %mul3A_7 = arith.muli %arg1, %mul3A_6 : i32
    %add3A_8 = arith.constant 0 : i32
    %add3A_9 = arith.addi %mul3A_7, %add3A_8 : i32
    "tpu.region"() ({
      %run_scoped3A = tpu.sem_alloc : memref<!tpu.dma_semaphore, #tpu.memory_space<semaphore_mem>>
      %dma_start3A = arith.constant 0 : i32
      %dma_start3A_37 = tpu.memref_slice %arg10[%add3A_9, %dma_start3A] : memref<10240x128xf32, #tpu.memory_space<vmem_shared>> -> memref<128x128xf32, #tpu.memory_space<vmem_shared>>
      %dma_start3A_38 = arith.constant 0 : i32
      %dma_start3A_39 = tpu.memref_slice %arg10[%add3A_9, %dma_start3A_38] : memref<10240x128xf32, #tpu.memory_space<vmem_shared>> -> memref<128x128xf32, #tpu.memory_space<vmem_shared>>
      tpu.enqueue_dma source(%arg8 : memref<128x128xf32, #tpu.memory_space<vmem>>) target(%dma_start3A_39 : memref<128x128xf32, #tpu.memory_space<vmem_shared>>) target_semaphore(%run_scoped3A : memref<!tpu.dma_semaphore, #tpu.memory_space<semaphore_mem>>)
      %dma_wait3A = arith.constant 0 : i32
      %dma_wait3A_40 = tpu.memref_slice %arg10[%add3A_9, %dma_wait3A] : memref<10240x128xf32, #tpu.memory_space<vmem_shared>> -> memref<128x128xf32, #tpu.memory_space<vmem_shared>>
      %dma_wait3A_41 = arith.constant 0 : i32
      %dma_wait3A_42 = tpu.memref_slice %arg10[%add3A_9, %dma_wait3A_41] : memref<10240x128xf32, #tpu.memory_space<vmem_shared>> -> memref<128x128xf32, #tpu.memory_space<vmem_shared>>
      tpu.wait_dma2 semaphore(%run_scoped3A : memref<!tpu.dma_semaphore, #tpu.memory_space<semaphore_mem>>) src(%arg8 : memref<128x128xf32, #tpu.memory_space<vmem>>) dst(%dma_wait3A_42 : memref<128x128xf32, #tpu.memory_space<vmem_shared>>)
      tpu.yield
    }) : () -> ()
    %mul3A_10 = arith.constant 640 : i32
    %mul3A_11 = arith.muli %arg1, %mul3A_10 : i32
    %add3A_12 = arith.constant 128 : i32
    %add3A_13 = arith.addi %mul3A_11, %add3A_12 : i32
    "tpu.region"() ({
      %run_scoped3A = tpu.sem_alloc : memref<!tpu.dma_semaphore, #tpu.memory_space<semaphore_mem>>
      %dma_start3A = arith.constant 0 : i32
      %dma_start3A_37 = tpu.memref_slice %arg10[%add3A_13, %dma_start3A] : memref<10240x128xf32, #tpu.memory_space<vmem_shared>> -> memref<128x128xf32, #tpu.memory_space<vmem_shared>>
      %dma_start3A_38 = arith.constant 0 : i32
      %dma_start3A_39 = tpu.memref_slice %arg10[%add3A_13, %dma_start3A_38] : memref<10240x128xf32, #tpu.memory_space<vmem_shared>> -> memref<128x128xf32, #tpu.memory_space<vmem_shared>>
      tpu.enqueue_dma source(%arg8 : memref<128x128xf32, #tpu.memory_space<vmem>>) target(%dma_start3A_39 : memref<128x128xf32, #tpu.memory_space<vmem_shared>>) target_semaphore(%run_scoped3A : memref<!tpu.dma_semaphore, #tpu.memory_space<semaphore_mem>>)
      %dma_wait3A = arith.constant 0 : i32
      %dma_wait3A_40 = tpu.memref_slice %arg10[%add3A_13, %dma_wait3A] : memref<10240x128xf32, #tpu.memory_space<vmem_shared>> -> memref<128x128xf32, #tpu.memory_space<vmem_shared>>
      %dma_wait3A_41 = arith.constant 0 : i32
      %dma_wait3A_42 = tpu.memref_slice %arg10[%add3A_13, %dma_wait3A_41] : memref<10240x128xf32, #tpu.memory_space<vmem_shared>> -> memref<128x128xf32, #tpu.memory_space<vmem_shared>>
      tpu.wait_dma2 semaphore(%run_scoped3A : memref<!tpu.dma_semaphore, #tpu.memory_space<semaphore_mem>>) src(%arg8 : memref<128x128xf32, #tpu.memory_space<vmem>>) dst(%dma_wait3A_42 : memref<128x128xf32, #tpu.memory_space<vmem_shared>>)
      tpu.yield
    }) : () -> ()
    %mul3A_14 = arith.constant 640 : i32
    %mul3A_15 = arith.muli %arg1, %mul3A_14 : i32
    %add3A_16 = arith.constant 256 : i32
    %add3A_17 = arith.addi %mul3A_15, %add3A_16 : i32
    "tpu.region"() ({
      %run_scoped3A = tpu.sem_alloc : memref<!tpu.dma_semaphore, #tpu.memory_space<semaphore_mem>>
      %dma_start3A = arith.constant 0 : i32
      %dma_start3A_37 = tpu.memref_slice %arg10[%add3A_17, %dma_start3A] : memref<10240x128xf32, #tpu.memory_space<vmem_shared>> -> memref<128x128xf32, #tpu.memory_space<vmem_shared>>
      %dma_start3A_38 = arith.constant 0 : i32
      %dma_start3A_39 = tpu.memref_slice %arg10[%add3A_17, %dma_start3A_38] : memref<10240x128xf32, #tpu.memory_space<vmem_shared>> -> memref<128x128xf32, #tpu.memory_space<vmem_shared>>
      tpu.enqueue_dma source(%arg8 : memref<128x128xf32, #tpu.memory_space<vmem>>) target(%dma_start3A_39 : memref<128x128xf32, #tpu.memory_space<vmem_shared>>) target_semaphore(%run_scoped3A : memref<!tpu.dma_semaphore, #tpu.memory_space<semaphore_mem>>)
      %dma_wait3A = arith.constant 0 : i32
      %dma_wait3A_40 = tpu.memref_slice %arg10[%add3A_17, %dma_wait3A] : memref<10240x128xf32, #tpu.memory_space<vmem_shared>> -> memref<128x128xf32, #tpu.memory_space<vmem_shared>>
      %dma_wait3A_41 = arith.constant 0 : i32
      %dma_wait3A_42 = tpu.memref_slice %arg10[%add3A_17, %dma_wait3A_41] : memref<10240x128xf32, #tpu.memory_space<vmem_shared>> -> memref<128x128xf32, #tpu.memory_space<vmem_shared>>
      tpu.wait_dma2 semaphore(%run_scoped3A : memref<!tpu.dma_semaphore, #tpu.memory_space<semaphore_mem>>) src(%arg8 : memref<128x128xf32, #tpu.memory_space<vmem>>) dst(%dma_wait3A_42 : memref<128x128xf32, #tpu.memory_space<vmem_shared>>)
      tpu.yield
    }) : () -> ()
    %mul3A_18 = arith.constant 640 : i32
    %mul3A_19 = arith.muli %arg1, %mul3A_18 : i32
    %add3A_20 = arith.constant 384 : i32
    %add3A_21 = arith.addi %mul3A_19, %add3A_20 : i32
    "tpu.region"() ({
      %run_scoped3A = tpu.sem_alloc : memref<!tpu.dma_semaphore, #tpu.memory_space<semaphore_mem>>
      %dma_start3A = arith.constant 0 : i32
      %dma_start3A_37 = tpu.memref_slice %arg10[%add3A_21, %dma_start3A] : memref<10240x128xf32, #tpu.memory_space<vmem_shared>> -> memref<128x128xf32, #tpu.memory_space<vmem_shared>>
      %dma_start3A_38 = arith.constant 0 : i32
      %dma_start3A_39 = tpu.memref_slice %arg10[%add3A_21, %dma_start3A_38] : memref<10240x128xf32, #tpu.memory_space<vmem_shared>> -> memref<128x128xf32, #tpu.memory_space<vmem_shared>>
      tpu.enqueue_dma source(%arg8 : memref<128x128xf32, #tpu.memory_space<vmem>>) target(%dma_start3A_39 : memref<128x128xf32, #tpu.memory_space<vmem_shared>>) target_semaphore(%run_scoped3A : memref<!tpu.dma_semaphore, #tpu.memory_space<semaphore_mem>>)
      %dma_wait3A = arith.constant 0 : i32
      %dma_wait3A_40 = tpu.memref_slice %arg10[%add3A_21, %dma_wait3A] : memref<10240x128xf32, #tpu.memory_space<vmem_shared>> -> memref<128x128xf32, #tpu.memory_space<vmem_shared>>
      %dma_wait3A_41 = arith.constant 0 : i32
      %dma_wait3A_42 = tpu.memref_slice %arg10[%add3A_21, %dma_wait3A_41] : memref<10240x128xf32, #tpu.memory_space<vmem_shared>> -> memref<128x128xf32, #tpu.memory_space<vmem_shared>>
      tpu.wait_dma2 semaphore(%run_scoped3A : memref<!tpu.dma_semaphore, #tpu.memory_space<semaphore_mem>>) src(%arg8 : memref<128x128xf32, #tpu.memory_space<vmem>>) dst(%dma_wait3A_42 : memref<128x128xf32, #tpu.memory_space<vmem_shared>>)
      tpu.yield
    }) : () -> ()
    %mul3A_22 = arith.constant 640 : i32
    %mul3A_23 = arith.muli %arg1, %mul3A_22 : i32
    %add3A_24 = arith.constant 512 : i32
    %add3A_25 = arith.addi %mul3A_23, %add3A_24 : i32
    "tpu.region"() ({
      %run_scoped3A = tpu.sem_alloc : memref<!tpu.dma_semaphore, #tpu.memory_space<semaphore_mem>>
      %dma_start3A = arith.constant 0 : i32
      %dma_start3A_37 = tpu.memref_slice %arg10[%add3A_25, %dma_start3A] : memref<10240x128xf32, #tpu.memory_space<vmem_shared>> -> memref<128x128xf32, #tpu.memory_space<vmem_shared>>
      %dma_start3A_38 = arith.constant 0 : i32
      %dma_start3A_39 = tpu.memref_slice %arg10[%add3A_25, %dma_start3A_38] : memref<10240x128xf32, #tpu.memory_space<vmem_shared>> -> memref<128x128xf32, #tpu.memory_space<vmem_shared>>
      tpu.enqueue_dma source(%arg8 : memref<128x128xf32, #tpu.memory_space<vmem>>) target(%dma_start3A_39 : memref<128x128xf32, #tpu.memory_space<vmem_shared>>) target_semaphore(%run_scoped3A : memref<!tpu.dma_semaphore, #tpu.memory_space<semaphore_mem>>)
      %dma_wait3A = arith.constant 0 : i32
      %dma_wait3A_40 = tpu.memref_slice %arg10[%add3A_25, %dma_wait3A] : memref<10240x128xf32, #tpu.memory_space<vmem_shared>> -> memref<128x128xf32, #tpu.memory_space<vmem_shared>>
      %dma_wait3A_41 = arith.constant 0 : i32
      %dma_wait3A_42 = tpu.memref_slice %arg10[%add3A_25, %dma_wait3A_41] : memref<10240x128xf32, #tpu.memory_space<vmem_shared>> -> memref<128x128xf32, #tpu.memory_space<vmem_shared>>
      tpu.wait_dma2 semaphore(%run_scoped3A : memref<!tpu.dma_semaphore, #tpu.memory_space<semaphore_mem>>) src(%arg8 : memref<128x128xf32, #tpu.memory_space<vmem>>) dst(%dma_wait3A_42 : memref<128x128xf32, #tpu.memory_space<vmem_shared>>)
      tpu.yield
    }) : () -> ()
    %barrier3A = arith.constant 0 : index
    tpu.barrier barrier_id(%barrier3A)
    %scan3A_26 = arith.constant 0 : i32
    %scan3A_27 = arith.constant 0 : i32
    %scan3A_28 = arith.constant 79 : i32
    %scan3A_29 = arith.addi %scan3A_27, %scan3A_28 : i32
    %scan3A_30 = arith.constant 1 : i32
    scf.for %scan3A_37 = %scan3A_27 to %scan3A_29 step %scan3A_30  : i32 {
      %dma_start3A = arith.constant 0 : i32
      %dma_start3A_38 = tpu.memref_slice %arg6[%scan3A_37, %dma_start3A] : memref<79x128xi32, #tpu.memory_space<vmem>> -> memref<1x128xi32, #tpu.memory_space<vmem>>
      %dma_start3A_39 = tpu.memref_squeeze %dma_start3A_38 : memref<1x128xi32, #tpu.memory_space<vmem>> -> memref<128xi32, #tpu.memory_space<vmem>>
      %dma_start3A_40 = arith.constant 0 : i32
      %dma_start3A_41 = arith.constant 0 : i32
      %dma_start3A_42 = tpu.memref_slice %arg2[%dma_start3A_40, %dma_start3A_41] : memref<10240x128xf32, #tpu.memory_space<hbm>> -> memref<10240x128xf32, #tpu.memory_space<hbm>>
      tpu.enqueue_indirect_dma source(%dma_start3A_42 : memref<10240x128xf32, #tpu.memory_space<hbm>>) target(%arg8 : memref<128x128xf32, #tpu.memory_space<vmem>>) offsets(%dma_start3A_39 : memref<128xi32, #tpu.memory_space<vmem>>) semaphore(%arg9 : memref<!tpu.dma_semaphore, #tpu.memory_space<semaphore_mem>>)
      %dma_wait3A = arith.constant 0 : i32
      %dma_wait3A_43 = tpu.memref_slice %arg6[%scan3A_37, %dma_wait3A] : memref<79x128xi32, #tpu.memory_space<vmem>> -> memref<1x128xi32, #tpu.memory_space<vmem>>
      %dma_wait3A_44 = tpu.memref_squeeze %dma_wait3A_43 : memref<1x128xi32, #tpu.memory_space<vmem>> -> memref<128xi32, #tpu.memory_space<vmem>>
      %dma_wait3A_45 = arith.constant 0 : i32
      %dma_wait3A_46 = arith.constant 0 : i32
      %dma_wait3A_47 = tpu.memref_slice %arg2[%dma_wait3A_45, %dma_wait3A_46] : memref<10240x128xf32, #tpu.memory_space<hbm>> -> memref<10240x128xf32, #tpu.memory_space<hbm>>
      tpu.wait_indirect_dma semaphore(%arg9 : memref<!tpu.dma_semaphore, #tpu.memory_space<semaphore_mem>>) src(%dma_wait3A_47 : memref<10240x128xf32, #tpu.memory_space<hbm>>) dst(%arg8 : memref<128x128xf32, #tpu.memory_space<vmem>>)
      "tpu.region"() ({
        %run_scoped3A = tpu.sem_alloc : memref<!tpu.dma_semaphore, #tpu.memory_space<semaphore_mem>>
        %dma_start3A_48 = arith.constant 0 : i32
        %dma_start3A_49 = tpu.memref_slice %arg7[%scan3A_37, %dma_start3A_48] : memref<79x128xi32, #tpu.memory_space<vmem>> -> memref<1x128xi32, #tpu.memory_space<vmem>>
        %dma_start3A_50 = tpu.memref_squeeze %dma_start3A_49 : memref<1x128xi32, #tpu.memory_space<vmem>> -> memref<128xi32, #tpu.memory_space<vmem>>
        %dma_start3A_51 = arith.constant 0 : i32
        %dma_start3A_52 = arith.constant 0 : i32
        %dma_start3A_53 = tpu.memref_slice %arg10[%dma_start3A_51, %dma_start3A_52] : memref<10240x128xf32, #tpu.memory_space<vmem_shared>> -> memref<10240x128xf32, #tpu.memory_space<vmem_shared>>
        tpu.enqueue_indirect_dma source(%arg8 : memref<128x128xf32, #tpu.memory_space<vmem>>) target(%dma_start3A_53 : memref<10240x128xf32, #tpu.memory_space<vmem_shared>>) offsets(%dma_start3A_50 : memref<128xi32, #tpu.memory_space<vmem>>) semaphore(%run_scoped3A : memref<!tpu.dma_semaphore, #tpu.memory_space<semaphore_mem>>) {add = true}
        %dma_wait3A_54 = arith.constant 0 : i32
        %dma_wait3A_55 = tpu.memref_slice %arg7[%scan3A_37, %dma_wait3A_54] : memref<79x128xi32, #tpu.memory_space<vmem>> -> memref<1x128xi32, #tpu.memory_space<vmem>>
        %dma_wait3A_56 = tpu.memref_squeeze %dma_wait3A_55 : memref<1x128xi32, #tpu.memory_space<vmem>> -> memref<128xi32, #tpu.memory_space<vmem>>
        %dma_wait3A_57 = arith.constant 0 : i32
        %dma_wait3A_58 = arith.constant 0 : i32
        %dma_wait3A_59 = tpu.memref_slice %arg10[%dma_wait3A_57, %dma_wait3A_58] : memref<10240x128xf32, #tpu.memory_space<vmem_shared>> -> memref<10240x128xf32, #tpu.memory_space<vmem_shared>>
        tpu.wait_indirect_dma semaphore(%run_scoped3A : memref<!tpu.dma_semaphore, #tpu.memory_space<semaphore_mem>>) src(%arg8 : memref<128x128xf32, #tpu.memory_space<vmem>>) dst(%dma_wait3A_59 : memref<10240x128xf32, #tpu.memory_space<vmem_shared>>)
        tpu.yield
      }) : () -> ()
    }
    %scan3A_31 = arith.constant 79 : i32
    %barrier3A_32 = arith.constant 0 : index
    tpu.barrier barrier_id(%barrier3A_32)
    %mul3A_33 = arith.constant 640 : i32
    %mul3A_34 = arith.muli %arg1, %mul3A_33 : i32
    %mul3A_35 = arith.constant 640 : i32
    %mul3A_36 = arith.muli %arg1, %mul3A_35 : i32
    "tpu.region"() ({
      %run_scoped3A = tpu.sem_alloc : memref<!tpu.dma_semaphore, #tpu.memory_space<semaphore_mem>>
      %dma_start3A = arith.constant 0 : i32
      %dma_start3A_37 = tpu.memref_slice %arg5[%arg0, %mul3A_36, %dma_start3A] : memref<2x10240x128xf32, #tpu.memory_space<hbm>> -> memref<1x640x128xf32, #tpu.memory_space<hbm>>
      %dma_start3A_38 = tpu.memref_squeeze %dma_start3A_37 : memref<1x640x128xf32, #tpu.memory_space<hbm>> -> memref<640x128xf32, #tpu.memory_space<hbm>>
      %dma_start3A_39 = arith.constant 0 : i32
      %dma_start3A_40 = tpu.memref_slice %arg10[%mul3A_34, %dma_start3A_39] : memref<10240x128xf32, #tpu.memory_space<vmem_shared>> -> memref<640x128xf32, #tpu.memory_space<vmem_shared>>
      tpu.enqueue_dma source(%dma_start3A_40 : memref<640x128xf32, #tpu.memory_space<vmem_shared>>) target(%dma_start3A_38 : memref<640x128xf32, #tpu.memory_space<hbm>>) target_semaphore(%run_scoped3A : memref<!tpu.dma_semaphore, #tpu.memory_space<semaphore_mem>>)
      %dma_wait3A = arith.constant 0 : i32
      %dma_wait3A_41 = tpu.memref_slice %arg5[%arg0, %mul3A_36, %dma_wait3A] : memref<2x10240x128xf32, #tpu.memory_space<hbm>> -> memref<1x640x128xf32, #tpu.memory_space<hbm>>
      %dma_wait3A_42 = tpu.memref_squeeze %dma_wait3A_41 : memref<1x640x128xf32, #tpu.memory_space<hbm>> -> memref<640x128xf32, #tpu.memory_space<hbm>>
      %dma_wait3A_43 = arith.constant 0 : i32
      %dma_wait3A_44 = tpu.memref_slice %arg10[%mul3A_34, %dma_wait3A_43] : memref<10240x128xf32, #tpu.memory_space<vmem_shared>> -> memref<640x128xf32, #tpu.memory_space<vmem_shared>>
      tpu.wait_dma2 semaphore(%run_scoped3A : memref<!tpu.dma_semaphore, #tpu.memory_space<semaphore_mem>>) src(%dma_wait3A_44 : memref<640x128xf32, #tpu.memory_space<vmem_shared>>) dst(%dma_wait3A_42 : memref<640x128xf32, #tpu.memory_space<hbm>>)
      tpu.yield
    }) : () -> ()
    return
  }
}

#map = affine_map<(d0, d1) -> (0, 0)>
#map1 = affine_map<(d0, d1) -> (0, 0, 0)>
module attributes {stable_mosaic.version = 14 : i64} {
  func.func @k(%arg0: i32, %arg1: i32, %arg2: memref<10240x128xf32, #tpu.memory_space<hbm>>, %arg3: memref<32x79x128xi32, #tpu.memory_space<hbm>>, %arg4: memref<32x79x128xi32, #tpu.memory_space<hbm>>, %arg5: memref<2x10240x128xf32, #tpu.memory_space<hbm>>, %arg6: memref<79x128xi32, #tpu.memory_space<vmem>>, %arg7: memref<79x128xi32, #tpu.memory_space<vmem>>, %arg8: memref<128x128xf32, #tpu.memory_space<vmem>>, %arg9: memref<!tpu.dma_semaphore, #tpu.memory_space<semaphore_mem>>, %arg10: memref<10240x128xf32, #tpu.memory_space<vmem_shared>>) attributes {dimension_semantics = [#tpu.dimension_semantics<core_parallel>, #tpu.dimension_semantics<subcore_parallel>], iteration_bounds = array<i64: 2, 16>, scalar_prefetch = 0 : i64, scratch_operands = 5 : i64, tpu.core_type = #tpu.core_type<sc_vector_subcore>, window_params = [{transform_indices = #map}, {transform_indices = #map1}, {transform_indices = #map1}, {transform_indices = #map1}]} {
    %mul3A = arith.constant 16 : i32
    %mul3A_0 = arith.muli %arg0, %mul3A : i32
    %add3A = arith.addi %mul3A_0, %arg1 : i32
    "tpu.region"() ({
      %run_scoped3A = tpu.sem_alloc : memref<!tpu.dma_semaphore, #tpu.memory_space<semaphore_mem>>
      %dma_start3A = arith.constant 0 : i32
      %dma_start3A_37 = arith.constant 0 : i32
      %dma_start3A_38 = tpu.memref_slice %arg3[%add3A, %dma_start3A, %dma_start3A_37] : memref<32x79x128xi32, #tpu.memory_space<hbm>> -> memref<1x79x128xi32, #tpu.memory_space<hbm>>
      %dma_start3A_39 = tpu.memref_squeeze %dma_start3A_38 : memref<1x79x128xi32, #tpu.memory_space<hbm>> -> memref<79x128xi32, #tpu.memory_space<hbm>>
      %dma_start3A_40 = arith.constant 0 : i32
      %dma_start3A_41 = arith.constant 0 : i32
      %dma_start3A_42 = tpu.memref_slice %arg3[%add3A, %dma_start3A_40, %dma_start3A_41] : memref<32x79x128xi32, #tpu.memory_space<hbm>> -> memref<1x79x128xi32, #tpu.memory_space<hbm>>
      %dma_start3A_43 = tpu.memref_squeeze %dma_start3A_42 : memref<1x79x128xi32, #tpu.memory_space<hbm>> -> memref<79x128xi32, #tpu.memory_space<hbm>>
      tpu.enqueue_dma source(%dma_start3A_43 : memref<79x128xi32, #tpu.memory_space<hbm>>) target(%arg6 : memref<79x128xi32, #tpu.memory_space<vmem>>) target_semaphore(%run_scoped3A : memref<!tpu.dma_semaphore, #tpu.memory_space<semaphore_mem>>)
      %dma_wait3A = arith.constant 0 : i32
      %dma_wait3A_44 = arith.constant 0 : i32
      %dma_wait3A_45 = tpu.memref_slice %arg3[%add3A, %dma_wait3A, %dma_wait3A_44] : memref<32x79x128xi32, #tpu.memory_space<hbm>> -> memref<1x79x128xi32, #tpu.memory_space<hbm>>
      %dma_wait3A_46 = tpu.memref_squeeze %dma_wait3A_45 : memref<1x79x128xi32, #tpu.memory_space<hbm>> -> memref<79x128xi32, #tpu.memory_space<hbm>>
      %dma_wait3A_47 = arith.constant 0 : i32
      %dma_wait3A_48 = arith.constant 0 : i32
      %dma_wait3A_49 = tpu.memref_slice %arg3[%add3A, %dma_wait3A_47, %dma_wait3A_48] : memref<32x79x128xi32, #tpu.memory_space<hbm>> -> memref<1x79x128xi32, #tpu.memory_space<hbm>>
      %dma_wait3A_50 = tpu.memref_squeeze %dma_wait3A_49 : memref<1x79x128xi32, #tpu.memory_space<hbm>> -> memref<79x128xi32, #tpu.memory_space<hbm>>
      tpu.wait_dma2 semaphore(%run_scoped3A : memref<!tpu.dma_semaphore, #tpu.memory_space<semaphore_mem>>) src(%dma_wait3A_50 : memref<79x128xi32, #tpu.memory_space<hbm>>) dst(%arg6 : memref<79x128xi32, #tpu.memory_space<vmem>>)
      tpu.yield
    }) : () -> ()
    "tpu.region"() ({
      %run_scoped3A = tpu.sem_alloc : memref<!tpu.dma_semaphore, #tpu.memory_space<semaphore_mem>>
      %dma_start3A = arith.constant 0 : i32
      %dma_start3A_37 = arith.constant 0 : i32
      %dma_start3A_38 = tpu.memref_slice %arg4[%add3A, %dma_start3A, %dma_start3A_37] : memref<32x79x128xi32, #tpu.memory_space<hbm>> -> memref<1x79x128xi32, #tpu.memory_space<hbm>>
      %dma_start3A_39 = tpu.memref_squeeze %dma_start3A_38 : memref<1x79x128xi32, #tpu.memory_space<hbm>> -> memref<79x128xi32, #tpu.memory_space<hbm>>
      %dma_start3A_40 = arith.constant 0 : i32
      %dma_start3A_41 = arith.constant 0 : i32
      %dma_start3A_42 = tpu.memref_slice %arg4[%add3A, %dma_start3A_40, %dma_start3A_41] : memref<32x79x128xi32, #tpu.memory_space<hbm>> -> memref<1x79x128xi32, #tpu.memory_space<hbm>>
      %dma_start3A_43 = tpu.memref_squeeze %dma_start3A_42 : memref<1x79x128xi32, #tpu.memory_space<hbm>> -> memref<79x128xi32, #tpu.memory_space<hbm>>
      tpu.enqueue_dma source(%dma_start3A_43 : memref<79x128xi32, #tpu.memory_space<hbm>>) target(%arg7 : memref<79x128xi32, #tpu.memory_space<vmem>>) target_semaphore(%run_scoped3A : memref<!tpu.dma_semaphore, #tpu.memory_space<semaphore_mem>>)
      %dma_wait3A = arith.constant 0 : i32
      %dma_wait3A_44 = arith.constant 0 : i32
      %dma_wait3A_45 = tpu.memref_slice %arg4[%add3A, %dma_wait3A, %dma_wait3A_44] : memref<32x79x128xi32, #tpu.memory_space<hbm>> -> memref<1x79x128xi32, #tpu.memory_space<hbm>>
      %dma_wait3A_46 = tpu.memref_squeeze %dma_wait3A_45 : memref<1x79x128xi32, #tpu.memory_space<hbm>> -> memref<79x128xi32, #tpu.memory_space<hbm>>
      %dma_wait3A_47 = arith.constant 0 : i32
      %dma_wait3A_48 = arith.constant 0 : i32
      %dma_wait3A_49 = tpu.memref_slice %arg4[%add3A, %dma_wait3A_47, %dma_wait3A_48] : memref<32x79x128xi32, #tpu.memory_space<hbm>> -> memref<1x79x128xi32, #tpu.memory_space<hbm>>
      %dma_wait3A_50 = tpu.memref_squeeze %dma_wait3A_49 : memref<1x79x128xi32, #tpu.memory_space<hbm>> -> memref<79x128xi32, #tpu.memory_space<hbm>>
      tpu.wait_dma2 semaphore(%run_scoped3A : memref<!tpu.dma_semaphore, #tpu.memory_space<semaphore_mem>>) src(%dma_wait3A_50 : memref<79x128xi32, #tpu.memory_space<hbm>>) dst(%arg7 : memref<79x128xi32, #tpu.memory_space<vmem>>)
      tpu.yield
    }) : () -> ()
    %scan3A = arith.constant 0 : i32
    %scan3A_1 = arith.constant 0 : i32
    %scan3A_2 = arith.constant 128 : i32
    %scan3A_3 = arith.addi %scan3A_1, %scan3A_2 : i32
    %scan3A_4 = arith.constant 1 : i32
    scf.for %scan3A_37 = %scan3A_1 to %scan3A_3 step %scan3A_4  : i32 {
      %broadcast_in_dim3A = arith.constant 0.000000e+00 : f32
      %broadcast_in_dim3A_38 = vector.broadcast %broadcast_in_dim3A : f32 to vector<16xf32>
      %swap3A = arith.index_cast %scan3A_37 : i32 to index
      %swap3A_39 = arith.constant 0 : index
      %swap3A_40 = tpu.vector_load %arg8[%swap3A, %swap3A_39] {strides = array<i32>} : memref<128x128xf32, #tpu.memory_space<vmem>>, vector<1x16xf32>,
      %swap3A_41 = vector.shape_cast %swap3A_40 : vector<1x16xf32> to vector<16xf32>
      %swap3A_42 = vector.shape_cast %broadcast_in_dim3A_38 : vector<16xf32> to vector<1x16xf32>
      tpu.vector_store %arg8[%swap3A, %swap3A_39], %swap3A_42 {strides = array<i32>} : memref<128x128xf32, #tpu.memory_space<vmem>>, vector<1x16xf32>,
      %broadcast_in_dim3A_43 = arith.constant 0.000000e+00 : f32
      %broadcast_in_dim3A_44 = vector.broadcast %broadcast_in_dim3A_43 : f32 to vector<16xf32>
      %swap3A_45 = arith.index_cast %scan3A_37 : i32 to index
      %swap3A_46 = arith.constant 16 : index
      %swap3A_47 = tpu.vector_load %arg8[%swap3A_45, %swap3A_46] {strides = array<i32>} : memref<128x128xf32, #tpu.memory_space<vmem>>, vector<1x16xf32>,
      %swap3A_48 = vector.shape_cast %swap3A_47 : vector<1x16xf32> to vector<16xf32>
      %swap3A_49 = vector.shape_cast %broadcast_in_dim3A_44 : vector<16xf32> to vector<1x16xf32>
      tpu.vector_store %arg8[%swap3A_45, %swap3A_46], %swap3A_49 {strides = array<i32>} : memref<128x128xf32, #tpu.memory_space<vmem>>, vector<1x16xf32>,
      %broadcast_in_dim3A_50 = arith.constant 0.000000e+00 : f32
      %broadcast_in_dim3A_51 = vector.broadcast %broadcast_in_dim3A_50 : f32 to vector<16xf32>
      %swap3A_52 = arith.index_cast %scan3A_37 : i32 to index
      %swap3A_53 = arith.constant 32 : index
      %swap3A_54 = tpu.vector_load %arg8[%swap3A_52, %swap3A_53] {strides = array<i32>} : memref<128x128xf32, #tpu.memory_space<vmem>>, vector<1x16xf32>,
      %swap3A_55 = vector.shape_cast %swap3A_54 : vector<1x16xf32> to vector<16xf32>
      %swap3A_56 = vector.shape_cast %broadcast_in_dim3A_51 : vector<16xf32> to vector<1x16xf32>
      tpu.vector_store %arg8[%swap3A_52, %swap3A_53], %swap3A_56 {strides = array<i32>} : memref<128x128xf32, #tpu.memory_space<vmem>>, vector<1x16xf32>,
      %broadcast_in_dim3A_57 = arith.constant 0.000000e+00 : f32
      %broadcast_in_dim3A_58 = vector.broadcast %broadcast_in_dim3A_57 : f32 to vector<16xf32>
      %swap3A_59 = arith.index_cast %scan3A_37 : i32 to index
      %swap3A_60 = arith.constant 48 : index
      %swap3A_61 = tpu.vector_load %arg8[%swap3A_59, %swap3A_60] {strides = array<i32>} : memref<128x128xf32, #tpu.memory_space<vmem>>, vector<1x16xf32>,
      %swap3A_62 = vector.shape_cast %swap3A_61 : vector<1x16xf32> to vector<16xf32>
      %swap3A_63 = vector.shape_cast %broadcast_in_dim3A_58 : vector<16xf32> to vector<1x16xf32>
      tpu.vector_store %arg8[%swap3A_59, %swap3A_60], %swap3A_63 {strides = array<i32>} : memref<128x128xf32, #tpu.memory_space<vmem>>, vector<1x16xf32>,
      %broadcast_in_dim3A_64 = arith.constant 0.000000e+00 : f32
      %broadcast_in_dim3A_65 = vector.broadcast %broadcast_in_dim3A_64 : f32 to vector<16xf32>
      %swap3A_66 = arith.index_cast %scan3A_37 : i32 to index
      %swap3A_67 = arith.constant 64 : index
      %swap3A_68 = tpu.vector_load %arg8[%swap3A_66, %swap3A_67] {strides = array<i32>} : memref<128x128xf32, #tpu.memory_space<vmem>>, vector<1x16xf32>,
      %swap3A_69 = vector.shape_cast %swap3A_68 : vector<1x16xf32> to vector<16xf32>
      %swap3A_70 = vector.shape_cast %broadcast_in_dim3A_65 : vector<16xf32> to vector<1x16xf32>
      tpu.vector_store %arg8[%swap3A_66, %swap3A_67], %swap3A_70 {strides = array<i32>} : memref<128x128xf32, #tpu.memory_space<vmem>>, vector<1x16xf32>,
      %broadcast_in_dim3A_71 = arith.constant 0.000000e+00 : f32
      %broadcast_in_dim3A_72 = vector.broadcast %broadcast_in_dim3A_71 : f32 to vector<16xf32>
      %swap3A_73 = arith.index_cast %scan3A_37 : i32 to index
      %swap3A_74 = arith.constant 80 : index
      %swap3A_75 = tpu.vector_load %arg8[%swap3A_73, %swap3A_74] {strides = array<i32>} : memref<128x128xf32, #tpu.memory_space<vmem>>, vector<1x16xf32>,
      %swap3A_76 = vector.shape_cast %swap3A_75 : vector<1x16xf32> to vector<16xf32>
      %swap3A_77 = vector.shape_cast %broadcast_in_dim3A_72 : vector<16xf32> to vector<1x16xf32>
      tpu.vector_store %arg8[%swap3A_73, %swap3A_74], %swap3A_77 {strides = array<i32>} : memref<128x128xf32, #tpu.memory_space<vmem>>, vector<1x16xf32>,
      %broadcast_in_dim3A_78 = arith.constant 0.000000e+00 : f32
      %broadcast_in_dim3A_79 = vector.broadcast %broadcast_in_dim3A_78 : f32 to vector<16xf32>
      %swap3A_80 = arith.index_cast %scan3A_37 : i32 to index
      %swap3A_81 = arith.constant 96 : index
      %swap3A_82 = tpu.vector_load %arg8[%swap3A_80, %swap3A_81] {strides = array<i32>} : memref<128x128xf32, #tpu.memory_space<vmem>>, vector<1x16xf32>,
      %swap3A_83 = vector.shape_cast %swap3A_82 : vector<1x16xf32> to vector<16xf32>
      %swap3A_84 = vector.shape_cast %broadcast_in_dim3A_79 : vector<16xf32> to vector<1x16xf32>
      tpu.vector_store %arg8[%swap3A_80, %swap3A_81], %swap3A_84 {strides = array<i32>} : memref<128x128xf32, #tpu.memory_space<vmem>>, vector<1x16xf32>,
      %broadcast_in_dim3A_85 = arith.constant 0.000000e+00 : f32
      %broadcast_in_dim3A_86 = vector.broadcast %broadcast_in_dim3A_85 : f32 to vector<16xf32>
      %swap3A_87 = arith.index_cast %scan3A_37 : i32 to index
      %swap3A_88 = arith.constant 112 : index
      %swap3A_89 = tpu.vector_load %arg8[%swap3A_87, %swap3A_88] {strides = array<i32>} : memref<128x128xf32, #tpu.memory_space<vmem>>, vector<1x16xf32>,
      %swap3A_90 = vector.shape_cast %swap3A_89 : vector<1x16xf32> to vector<16xf32>
      %swap3A_91 = vector.shape_cast %broadcast_in_dim3A_86 : vector<16xf32> to vector<1x16xf32>
      tpu.vector_store %arg8[%swap3A_87, %swap3A_88], %swap3A_91 {strides = array<i32>} : memref<128x128xf32, #tpu.memory_space<vmem>>, vector<1x16xf32>,
    }
    %scan3A_5 = arith.constant 128 : i32
    %mul3A_6 = arith.constant 640 : i32
    %mul3A_7 = arith.muli %arg1, %mul3A_6 : i32
    %add3A_8 = arith.constant 0 : i32
    %add3A_9 = arith.addi %mul3A_7, %add3A_8 : i32
    "tpu.region"() ({
      %run_scoped3A = tpu.sem_alloc : memref<!tpu.dma_semaphore, #tpu.memory_space<semaphore_mem>>
      %dma_start3A = arith.constant 0 : i32
      %dma_start3A_37 = tpu.memref_slice %arg10[%add3A_9, %dma_start3A] : memref<10240x128xf32, #tpu.memory_space<vmem_shared>> -> memref<128x128xf32, #tpu.memory_space<vmem_shared>>
      %dma_start3A_38 = arith.constant 0 : i32
      %dma_start3A_39 = tpu.memref_slice %arg10[%add3A_9, %dma_start3A_38] : memref<10240x128xf32, #tpu.memory_space<vmem_shared>> -> memref<128x128xf32, #tpu.memory_space<vmem_shared>>
      tpu.enqueue_dma source(%arg8 : memref<128x128xf32, #tpu.memory_space<vmem>>) target(%dma_start3A_39 : memref<128x128xf32, #tpu.memory_space<vmem_shared>>) target_semaphore(%run_scoped3A : memref<!tpu.dma_semaphore, #tpu.memory_space<semaphore_mem>>)
      %dma_wait3A = arith.constant 0 : i32
      %dma_wait3A_40 = tpu.memref_slice %arg10[%add3A_9, %dma_wait3A] : memref<10240x128xf32, #tpu.memory_space<vmem_shared>> -> memref<128x128xf32, #tpu.memory_space<vmem_shared>>
      %dma_wait3A_41 = arith.constant 0 : i32
      %dma_wait3A_42 = tpu.memref_slice %arg10[%add3A_9, %dma_wait3A_41] : memref<10240x128xf32, #tpu.memory_space<vmem_shared>> -> memref<128x128xf32, #tpu.memory_space<vmem_shared>>
      tpu.wait_dma2 semaphore(%run_scoped3A : memref<!tpu.dma_semaphore, #tpu.memory_space<semaphore_mem>>) src(%arg8 : memref<128x128xf32, #tpu.memory_space<vmem>>) dst(%dma_wait3A_42 : memref<128x128xf32, #tpu.memory_space<vmem_shared>>)
      tpu.yield
    }) : () -> ()
    %mul3A_10 = arith.constant 640 : i32
    %mul3A_11 = arith.muli %arg1, %mul3A_10 : i32
    %add3A_12 = arith.constant 128 : i32
    %add3A_13 = arith.addi %mul3A_11, %add3A_12 : i32
    "tpu.region"() ({
      %run_scoped3A = tpu.sem_alloc : memref<!tpu.dma_semaphore, #tpu.memory_space<semaphore_mem>>
      %dma_start3A = arith.constant 0 : i32
      %dma_start3A_37 = tpu.memref_slice %arg10[%add3A_13, %dma_start3A] : memref<10240x128xf32, #tpu.memory_space<vmem_shared>> -> memref<128x128xf32, #tpu.memory_space<vmem_shared>>
      %dma_start3A_38 = arith.constant 0 : i32
      %dma_start3A_39 = tpu.memref_slice %arg10[%add3A_13, %dma_start3A_38] : memref<10240x128xf32, #tpu.memory_space<vmem_shared>> -> memref<128x128xf32, #tpu.memory_space<vmem_shared>>
      tpu.enqueue_dma source(%arg8 : memref<128x128xf32, #tpu.memory_space<vmem>>) target(%dma_start3A_39 : memref<128x128xf32, #tpu.memory_space<vmem_shared>>) target_semaphore(%run_scoped3A : memref<!tpu.dma_semaphore, #tpu.memory_space<semaphore_mem>>)
      %dma_wait3A = arith.constant 0 : i32
      %dma_wait3A_40 = tpu.memref_slice %arg10[%add3A_13, %dma_wait3A] : memref<10240x128xf32, #tpu.memory_space<vmem_shared>> -> memref<128x128xf32, #tpu.memory_space<vmem_shared>>
      %dma_wait3A_41 = arith.constant 0 : i32
      %dma_wait3A_42 = tpu.memref_slice %arg10[%add3A_13, %dma_wait3A_41] : memref<10240x128xf32, #tpu.memory_space<vmem_shared>> -> memref<128x128xf32, #tpu.memory_space<vmem_shared>>
      tpu.wait_dma2 semaphore(%run_scoped3A : memref<!tpu.dma_semaphore, #tpu.memory_space<semaphore_mem>>) src(%arg8 : memref<128x128xf32, #tpu.memory_space<vmem>>) dst(%dma_wait3A_42 : memref<128x128xf32, #tpu.memory_space<vmem_shared>>)
      tpu.yield
    }) : () -> ()
    %mul3A_14 = arith.constant 640 : i32
    %mul3A_15 = arith.muli %arg1, %mul3A_14 : i32
    %add3A_16 = arith.constant 256 : i32
    %add3A_17 = arith.addi %mul3A_15, %add3A_16 : i32
    "tpu.region"() ({
      %run_scoped3A = tpu.sem_alloc : memref<!tpu.dma_semaphore, #tpu.memory_space<semaphore_mem>>
      %dma_start3A = arith.constant 0 : i32
      %dma_start3A_37 = tpu.memref_slice %arg10[%add3A_17, %dma_start3A] : memref<10240x128xf32, #tpu.memory_space<vmem_shared>> -> memref<128x128xf32, #tpu.memory_space<vmem_shared>>
      %dma_start3A_38 = arith.constant 0 : i32
      %dma_start3A_39 = tpu.memref_slice %arg10[%add3A_17, %dma_start3A_38] : memref<10240x128xf32, #tpu.memory_space<vmem_shared>> -> memref<128x128xf32, #tpu.memory_space<vmem_shared>>
      tpu.enqueue_dma source(%arg8 : memref<128x128xf32, #tpu.memory_space<vmem>>) target(%dma_start3A_39 : memref<128x128xf32, #tpu.memory_space<vmem_shared>>) target_semaphore(%run_scoped3A : memref<!tpu.dma_semaphore, #tpu.memory_space<semaphore_mem>>)
      %dma_wait3A = arith.constant 0 : i32
      %dma_wait3A_40 = tpu.memref_slice %arg10[%add3A_17, %dma_wait3A] : memref<10240x128xf32, #tpu.memory_space<vmem_shared>> -> memref<128x128xf32, #tpu.memory_space<vmem_shared>>
      %dma_wait3A_41 = arith.constant 0 : i32
      %dma_wait3A_42 = tpu.memref_slice %arg10[%add3A_17, %dma_wait3A_41] : memref<10240x128xf32, #tpu.memory_space<vmem_shared>> -> memref<128x128xf32, #tpu.memory_space<vmem_shared>>
      tpu.wait_dma2 semaphore(%run_scoped3A : memref<!tpu.dma_semaphore, #tpu.memory_space<semaphore_mem>>) src(%arg8 : memref<128x128xf32, #tpu.memory_space<vmem>>) dst(%dma_wait3A_42 : memref<128x128xf32, #tpu.memory_space<vmem_shared>>)
      tpu.yield
    }) : () -> ()
    %mul3A_18 = arith.constant 640 : i32
    %mul3A_19 = arith.muli %arg1, %mul3A_18 : i32
    %add3A_20 = arith.constant 384 : i32
    %add3A_21 = arith.addi %mul3A_19, %add3A_20 : i32
    "tpu.region"() ({
      %run_scoped3A = tpu.sem_alloc : memref<!tpu.dma_semaphore, #tpu.memory_space<semaphore_mem>>
      %dma_start3A = arith.constant 0 : i32
      %dma_start3A_37 = tpu.memref_slice %arg10[%add3A_21, %dma_start3A] : memref<10240x128xf32, #tpu.memory_space<vmem_shared>> -> memref<128x128xf32, #tpu.memory_space<vmem_shared>>
      %dma_start3A_38 = arith.constant 0 : i32
      %dma_start3A_39 = tpu.memref_slice %arg10[%add3A_21, %dma_start3A_38] : memref<10240x128xf32, #tpu.memory_space<vmem_shared>> -> memref<128x128xf32, #tpu.memory_space<vmem_shared>>
      tpu.enqueue_dma source(%arg8 : memref<128x128xf32, #tpu.memory_space<vmem>>) target(%dma_start3A_39 : memref<128x128xf32, #tpu.memory_space<vmem_shared>>) target_semaphore(%run_scoped3A : memref<!tpu.dma_semaphore, #tpu.memory_space<semaphore_mem>>)
      %dma_wait3A = arith.constant 0 : i32
      %dma_wait3A_40 = tpu.memref_slice %arg10[%add3A_21, %dma_wait3A] : memref<10240x128xf32, #tpu.memory_space<vmem_shared>> -> memref<128x128xf32, #tpu.memory_space<vmem_shared>>
      %dma_wait3A_41 = arith.constant 0 : i32
      %dma_wait3A_42 = tpu.memref_slice %arg10[%add3A_21, %dma_wait3A_41] : memref<10240x128xf32, #tpu.memory_space<vmem_shared>> -> memref<128x128xf32, #tpu.memory_space<vmem_shared>>
      tpu.wait_dma2 semaphore(%run_scoped3A : memref<!tpu.dma_semaphore, #tpu.memory_space<semaphore_mem>>) src(%arg8 : memref<128x128xf32, #tpu.memory_space<vmem>>) dst(%dma_wait3A_42 : memref<128x128xf32, #tpu.memory_space<vmem_shared>>)
      tpu.yield
    }) : () -> ()
    %mul3A_22 = arith.constant 640 : i32
    %mul3A_23 = arith.muli %arg1, %mul3A_22 : i32
    %add3A_24 = arith.constant 512 : i32
    %add3A_25 = arith.addi %mul3A_23, %add3A_24 : i32
    "tpu.region"() ({
      %run_scoped3A = tpu.sem_alloc : memref<!tpu.dma_semaphore, #tpu.memory_space<semaphore_mem>>
      %dma_start3A = arith.constant 0 : i32
      %dma_start3A_37 = tpu.memref_slice %arg10[%add3A_25, %dma_start3A] : memref<10240x128xf32, #tpu.memory_space<vmem_shared>> -> memref<128x128xf32, #tpu.memory_space<vmem_shared>>
      %dma_start3A_38 = arith.constant 0 : i32
      %dma_start3A_39 = tpu.memref_slice %arg10[%add3A_25, %dma_start3A_38] : memref<10240x128xf32, #tpu.memory_space<vmem_shared>> -> memref<128x128xf32, #tpu.memory_space<vmem_shared>>
      tpu.enqueue_dma source(%arg8 : memref<128x128xf32, #tpu.memory_space<vmem>>) target(%dma_start3A_39 : memref<128x128xf32, #tpu.memory_space<vmem_shared>>) target_semaphore(%run_scoped3A : memref<!tpu.dma_semaphore, #tpu.memory_space<semaphore_mem>>)
      %dma_wait3A = arith.constant 0 : i32
      %dma_wait3A_40 = tpu.memref_slice %arg10[%add3A_25, %dma_wait3A] : memref<10240x128xf32, #tpu.memory_space<vmem_shared>> -> memref<128x128xf32, #tpu.memory_space<vmem_shared>>
      %dma_wait3A_41 = arith.constant 0 : i32
      %dma_wait3A_42 = tpu.memref_slice %arg10[%add3A_25, %dma_wait3A_41] : memref<10240x128xf32, #tpu.memory_space<vmem_shared>> -> memref<128x128xf32, #tpu.memory_space<vmem_shared>>
      tpu.wait_dma2 semaphore(%run_scoped3A : memref<!tpu.dma_semaphore, #tpu.memory_space<semaphore_mem>>) src(%arg8 : memref<128x128xf32, #tpu.memory_space<vmem>>) dst(%dma_wait3A_42 : memref<128x128xf32, #tpu.memory_space<vmem_shared>>)
      tpu.yield
    }) : () -> ()
    %barrier3A = arith.constant 0 : index
    tpu.barrier barrier_id(%barrier3A)
    %scan3A_26 = arith.constant 0 : i32
    %scan3A_27 = arith.constant 0 : i32
    %scan3A_28 = arith.constant 79 : i32
    %scan3A_29 = arith.addi %scan3A_27, %scan3A_28 : i32
    %scan3A_30 = arith.constant 1 : i32
    scf.for %scan3A_37 = %scan3A_27 to %scan3A_29 step %scan3A_30  : i32 {
      %dma_start3A = arith.constant 0 : i32
      %dma_start3A_38 = tpu.memref_slice %arg6[%scan3A_37, %dma_start3A] : memref<79x128xi32, #tpu.memory_space<vmem>> -> memref<1x128xi32, #tpu.memory_space<vmem>>
      %dma_start3A_39 = tpu.memref_squeeze %dma_start3A_38 : memref<1x128xi32, #tpu.memory_space<vmem>> -> memref<128xi32, #tpu.memory_space<vmem>>
      %dma_start3A_40 = arith.constant 0 : i32
      %dma_start3A_41 = arith.constant 0 : i32
      %dma_start3A_42 = tpu.memref_slice %arg2[%dma_start3A_40, %dma_start3A_41] : memref<10240x128xf32, #tpu.memory_space<hbm>> -> memref<10240x128xf32, #tpu.memory_space<hbm>>
      tpu.enqueue_indirect_dma source(%dma_start3A_42 : memref<10240x128xf32, #tpu.memory_space<hbm>>) target(%arg8 : memref<128x128xf32, #tpu.memory_space<vmem>>) offsets(%dma_start3A_39 : memref<128xi32, #tpu.memory_space<vmem>>) semaphore(%arg9 : memref<!tpu.dma_semaphore, #tpu.memory_space<semaphore_mem>>)
      %dma_wait3A = arith.constant 0 : i32
      %dma_wait3A_43 = tpu.memref_slice %arg6[%scan3A_37, %dma_wait3A] : memref<79x128xi32, #tpu.memory_space<vmem>> -> memref<1x128xi32, #tpu.memory_space<vmem>>
      %dma_wait3A_44 = tpu.memref_squeeze %dma_wait3A_43 : memref<1x128xi32, #tpu.memory_space<vmem>> -> memref<128xi32, #tpu.memory_space<vmem>>
      %dma_wait3A_45 = arith.constant 0 : i32
      %dma_wait3A_46 = arith.constant 0 : i32
      %dma_wait3A_47 = tpu.memref_slice %arg2[%dma_wait3A_45, %dma_wait3A_46] : memref<10240x128xf32, #tpu.memory_space<hbm>> -> memref<10240x128xf32, #tpu.memory_space<hbm>>
      tpu.wait_indirect_dma semaphore(%arg9 : memref<!tpu.dma_semaphore, #tpu.memory_space<semaphore_mem>>) src(%dma_wait3A_47 : memref<10240x128xf32, #tpu.memory_space<hbm>>) dst(%arg8 : memref<128x128xf32, #tpu.memory_space<vmem>>)
      "tpu.region"() ({
        %run_scoped3A = tpu.sem_alloc : memref<!tpu.dma_semaphore, #tpu.memory_space<semaphore_mem>>
        %dma_start3A_48 = arith.constant 0 : i32
        %dma_start3A_49 = tpu.memref_slice %arg7[%scan3A_37, %dma_start3A_48] : memref<79x128xi32, #tpu.memory_space<vmem>> -> memref<1x128xi32, #tpu.memory_space<vmem>>
        %dma_start3A_50 = tpu.memref_squeeze %dma_start3A_49 : memref<1x128xi32, #tpu.memory_space<vmem>> -> memref<128xi32, #tpu.memory_space<vmem>>
        %dma_start3A_51 = arith.constant 0 : i32
        %dma_start3A_52 = arith.constant 0 : i32
        %dma_start3A_53 = tpu.memref_slice %arg10[%dma_start3A_51, %dma_start3A_52] : memref<10240x128xf32, #tpu.memory_space<vmem_shared>> -> memref<10240x128xf32, #tpu.memory_space<vmem_shared>>
        tpu.enqueue_indirect_dma source(%arg8 : memref<128x128xf32, #tpu.memory_space<vmem>>) target(%dma_start3A_53 : memref<10240x128xf32, #tpu.memory_space<vmem_shared>>) offsets(%dma_start3A_50 : memref<128xi32, #tpu.memory_space<vmem>>) semaphore(%run_scoped3A : memref<!tpu.dma_semaphore, #tpu.memory_space<semaphore_mem>>) {add = true}
        %dma_wait3A_54 = arith.constant 0 : i32
        %dma_wait3A_55 = tpu.memref_slice %arg7[%scan3A_37, %dma_wait3A_54] : memref<79x128xi32, #tpu.memory_space<vmem>> -> memref<1x128xi32, #tpu.memory_space<vmem>>
        %dma_wait3A_56 = tpu.memref_squeeze %dma_wait3A_55 : memref<1x128xi32, #tpu.memory_space<vmem>> -> memref<128xi32, #tpu.memory_space<vmem>>
        %dma_wait3A_57 = arith.constant 0 : i32
        %dma_wait3A_58 = arith.constant 0 : i32
        %dma_wait3A_59 = tpu.memref_slice %arg10[%dma_wait3A_57, %dma_wait3A_58] : memref<10240x128xf32, #tpu.memory_space<vmem_shared>> -> memref<10240x128xf32, #tpu.memory_space<vmem_shared>>
        tpu.wait_indirect_dma semaphore(%run_scoped3A : memref<!tpu.dma_semaphore, #tpu.memory_space<semaphore_mem>>) src(%arg8 : memref<128x128xf32, #tpu.memory_space<vmem>>) dst(%dma_wait3A_59 : memref<10240x128xf32, #tpu.memory_space<vmem_shared>>)
        tpu.yield
      }) : () -> ()
    }
    %scan3A_31 = arith.constant 79 : i32
    %barrier3A_32 = arith.constant 0 : index
    tpu.barrier barrier_id(%barrier3A_32)
    %mul3A_33 = arith.constant 640 : i32
    %mul3A_34 = arith.muli %arg1, %mul3A_33 : i32
    %mul3A_35 = arith.constant 640 : i32
    %mul3A_36 = arith.muli %arg1, %mul3A_35 : i32
    "tpu.region"() ({
      %run_scoped3A = tpu.sem_alloc : memref<!tpu.dma_semaphore, #tpu.memory_space<semaphore_mem>>
      %dma_start3A = arith.constant 0 : i32
      %dma_start3A_37 = tpu.memref_slice %arg5[%arg0, %mul3A_36, %dma_start3A] : memref<2x10240x128xf32, #tpu.memory_space<hbm>> -> memref<1x640x128xf32, #tpu.memory_space<hbm>>
      %dma_start3A_38 = tpu.memref_squeeze %dma_start3A_37 : memref<1x640x128xf32, #tpu.memory_space<hbm>> -> memref<640x128xf32, #tpu.memory_space<hbm>>
      %dma_start3A_39 = arith.constant 0 : i32
      %dma_start3A_40 = tpu.memref_slice %arg10[%mul3A_34, %dma_start3A_39] : memref<10240x128xf32, #tpu.memory_space<vmem_shared>> -> memref<640x128xf32, #tpu.memory_space<vmem_shared>>
      tpu.enqueue_dma source(%dma_start3A_40 : memref<640x128xf32, #tpu.memory_space<vmem_shared>>) target(%dma_start3A_38 : memref<640x128xf32, #tpu.memory_space<hbm>>) target_semaphore(%run_scoped3A : memref<!tpu.dma_semaphore, #tpu.memory_space<semaphore_mem>>)
      %dma_wait3A = arith.constant 0 : i32
      %dma_wait3A_41 = tpu.memref_slice %arg5[%arg0, %mul3A_36, %dma_wait3A] : memref<2x10240x128xf32, #tpu.memory_space<hbm>> -> memref<1x640x128xf32, #tpu.memory_space<hbm>>
      %dma_wait3A_42 = tpu.memref_squeeze %dma_wait3A_41 : memref<1x640x128xf32, #tpu.memory_space<hbm>> -> memref<640x128xf32, #tpu.memory_space<hbm>>
      %dma_wait3A_43 = arith.constant 0 : i32
      %dma_wait3A_44 = tpu.memref_slice %arg10[%mul3A_34, %dma_wait3A_43] : memref<10240x128xf32, #tpu.memory_space<vmem_shared>> -> memref<640x128xf32, #tpu.memory_space<vmem_shared>>
      tpu.wait_dma2 semaphore(%run_scoped3A : memref<!tpu.dma_semaphore, #tpu.memory_space<semaphore_mem>>) src(%dma_wait3A_44 : memref<640x128xf32, #tpu.memory_space<vmem_shared>>) dst(%dma_wait3A_42 : memref<640x128xf32, #tpu.memory_space<hbm>>)
      tpu.yield
    }) : () -> ()
    return
  }
}

module attributes {stable_mosaic.version = 14 : i64} {
  func.func @body(%arg0: i32, %arg1: memref<5120x128xf32, #tpu.memory_space<vmem>>, %arg2: memref<128x128xf32, #tpu.memory_space<vmem>>, %arg3: memref<2x5120x1xf32, #tpu.memory_space<vmem>>, %arg4: memref<5120x128xf32, #tpu.memory_space<vmem>>, %arg5: memref<5120x1xf32, #tpu.memory_space<vmem>>) attributes {dimension_semantics = [#tpu.dimension_semantics<arbitrary>], iteration_bounds = array<i64: 2>, scalar_prefetch = 0 : i64, scratch_operands = 0 : i64, tpu.core_type = #tpu.core_type<tc>, window_params = [{transform_indices = @transform_0, window_bounds = array<i64: 5120, 128>}, {pipeline_mode = #tpu.pipeline_mode<synchronous>, transform_indices = @transform_1, window_bounds = array<i64: 128, 128>}, {transform_indices = @transform_2, window_bounds = array<i64: 2, 5120, 1>}, {transform_indices = @transform_3, window_bounds = array<i64: 5120, 128>}, {transform_indices = @transform_4, window_bounds = array<i64: 5120, 1>}]} {
    %get3A = arith.constant 0 : index
    %get3A_0 = arith.constant 0 : index
    %get3A_1 = arith.constant 0 : index
    %get3A_2 = vector.load %arg3[%get3A, %get3A_0, %get3A_1] : memref<2x5120x1xf32, #tpu.memory_space<vmem>>, vector<2x5120x1xf32>
    %slice3A = vector.extract_strided_slice %get3A_2 {offsets = [0, 0, 0], sizes = [1, 5120, 1], strides = [1, 1, 1]} : vector<2x5120x1xf32> to vector<1x5120x1xf32>
    %squeeze3A = vector.shape_cast %slice3A : vector<1x5120x1xf32> to vector<5120x1xf32>
    %slice3A_3 = vector.extract_strided_slice %get3A_2 {offsets = [1, 0, 0], sizes = [1, 5120, 1], strides = [1, 1, 1]} : vector<2x5120x1xf32> to vector<1x5120x1xf32>
    %squeeze3A_4 = vector.shape_cast %slice3A_3 : vector<1x5120x1xf32> to vector<5120x1xf32>
    %add3A = arith.addf %squeeze3A, %squeeze3A_4 : vector<5120x1xf32>
    %add3A_5 = arith.constant 1.000000e+00 : f32
    %add3A_6 = vector.broadcast %add3A_5 : f32 to vector<5120x1xf32>
    %add3A_7 = arith.addf %add3A, %add3A_6 : vector<5120x1xf32>
    %rsqrt3A = math.rsqrt %add3A_7 : vector<5120x1xf32>
    %swap3A = arith.constant 0 : index
    %swap3A_8 = arith.constant 0 : index
    %swap3A_9 = vector.load %arg5[%swap3A, %swap3A_8] : memref<5120x1xf32, #tpu.memory_space<vmem>>, vector<5120x1xf32>
    tpu.vector_store %arg5[%swap3A, %swap3A_8], %rsqrt3A {strides = array<i32>} : memref<5120x1xf32, #tpu.memory_space<vmem>>, vector<5120x1xf32>,
    %get3A_10 = arith.constant 0 : index
    %get3A_11 = arith.constant 0 : index
    %get3A_12 = vector.load %arg1[%get3A_10, %get3A_11] : memref<5120x128xf32, #tpu.memory_space<vmem>>, vector<5120x128xf32>
    %get3A_13 = arith.constant 0 : index
    %get3A_14 = arith.constant 0 : index
    %get3A_15 = vector.load %arg2[%get3A_13, %get3A_14] : memref<128x128xf32, #tpu.memory_space<vmem>>, vector<128x128xf32>
    %dot_general3A = arith.constant dense<0.000000e+00> : vector<5120x128xf32>
    %dot_general3A_16 = tpu.matmul %get3A_12, %get3A_15, %dot_general3A {dimension_numbers = #tpu.dot_dimension_numbers<[1], [0], [0], [1], [0, 0, 1, 1], [], []>, transpose_lhs_hint = false} : vector<5120x128xf32>, vector<128x128xf32>, vector<5120x128xf32> -> vector<5120x128xf32>
    %mul3A = vector.broadcast %rsqrt3A : vector<5120x1xf32> to vector<5120x128xf32>
    %mul3A_17 = arith.mulf %dot_general3A_16, %mul3A : vector<5120x128xf32>
    %swap3A_18 = arith.constant 0 : index
    %swap3A_19 = arith.constant 0 : index
    %swap3A_20 = vector.load %arg4[%swap3A_18, %swap3A_19] : memref<5120x128xf32, #tpu.memory_space<vmem>>, vector<5120x128xf32>
    tpu.vector_store %arg4[%swap3A_18, %swap3A_19], %mul3A_17 {strides = array<i32>} : memref<5120x128xf32, #tpu.memory_space<vmem>>, vector<5120x128xf32>,
    return
  }
  func.func @transform_0(%arg0: i32) -> (i32, i32) {
    %c0_i32 = arith.constant 0 : i32
    %c0_i32_0 = arith.constant 0 : i32
    return %arg0, %c0_i32 : i32, i32
  }
  func.func @transform_1(%arg0: i32) -> (i32, i32) {
    %c0_i32 = arith.constant 0 : i32
    %c0_i32_0 = arith.constant 0 : i32
    %c0_i32_1 = arith.constant 0 : i32
    return %c0_i32, %c0_i32_0 : i32, i32
  }
  func.func @transform_2(%arg0: i32) -> (i32, i32, i32) {
    %c0_i32 = arith.constant 0 : i32
    %c0_i32_0 = arith.constant 0 : i32
    %c0_i32_1 = arith.constant 0 : i32
    return %c0_i32, %arg0, %c0_i32_0 : i32, i32, i32
  }
  func.func @transform_3(%arg0: i32) -> (i32, i32) {
    %c0_i32 = arith.constant 0 : i32
    %c0_i32_0 = arith.constant 0 : i32
    return %arg0, %c0_i32 : i32, i32
  }
  func.func @transform_4(%arg0: i32) -> (i32, i32) {
    %c0_i32 = arith.constant 0 : i32
    %c0_i32_0 = arith.constant 0 : i32
    return %arg0, %c0_i32 : i32, i32
  }
}

module attributes {stable_mosaic.version = 14 : i64} {
  func.func @body(%arg0: i32, %arg1: memref<2x5120x128xf32, #tpu.memory_space<vmem>>, %arg2: memref<5120x128xf32, #tpu.memory_space<vmem>>, %arg3: memref<5120x1xf32, #tpu.memory_space<vmem>>, %arg4: memref<1x128xf32, #tpu.memory_space<vmem>>, %arg5: memref<5120x128xf32, #tpu.memory_space<vmem>>, %arg6: memref<1x128xf32, #tpu.memory_space<vmem>>, %arg7: memref<1x128xf32, #tpu.memory_space<vmem>>) attributes {dimension_semantics = [#tpu.dimension_semantics<arbitrary>], iteration_bounds = array<i64: 2>, scalar_prefetch = 0 : i64, scratch_operands = 0 : i64, tpu.core_type = #tpu.core_type<tc>, window_params = [{transform_indices = @transform_0, window_bounds = array<i64: 2, 5120, 128>}, {transform_indices = @transform_1, window_bounds = array<i64: 5120, 128>}, {transform_indices = @transform_2, window_bounds = array<i64: 5120, 1>}, {pipeline_mode = #tpu.pipeline_mode<synchronous>, transform_indices = @transform_3, window_bounds = array<i64: 1, 128>}, {transform_indices = @transform_4, window_bounds = array<i64: 5120, 128>}, {pipeline_mode = #tpu.pipeline_mode<synchronous>, transform_indices = @transform_5, window_bounds = array<i64: 1, 128>}, {pipeline_mode = #tpu.pipeline_mode<synchronous>, transform_indices = @transform_6, window_bounds = array<i64: 1, 128>}]} {
    %get3A = arith.constant 0 : index
    %get3A_0 = arith.constant 0 : index
    %get3A_1 = vector.load %arg3[%get3A, %get3A_0] : memref<5120x1xf32, #tpu.memory_space<vmem>>, vector<5120x1xf32>
    %get3A_2 = arith.constant 0 : index
    %get3A_3 = arith.constant 0 : index
    %get3A_4 = arith.constant 0 : index
    %get3A_5 = vector.load %arg1[%get3A_2, %get3A_3, %get3A_4] : memref<2x5120x128xf32, #tpu.memory_space<vmem>>, vector<2x5120x128xf32>
    %reduce_sum3A = arith.constant dense<0.000000e+00> : vector<5120x128xf32>
    %reduce_sum3A_6 = vector.multi_reduction <add>, %get3A_5, %reduce_sum3A [0] : vector<2x5120x128xf32> to vector<5120x128xf32>
    %get3A_7 = arith.constant 0 : index
    %get3A_8 = arith.constant 0 : index
    %get3A_9 = vector.load %arg2[%get3A_7, %get3A_8] : memref<5120x128xf32, #tpu.memory_space<vmem>>, vector<5120x128xf32>
    %add3A = arith.addf %reduce_sum3A_6, %get3A_9 : vector<5120x128xf32>
    %mul3A = vector.broadcast %get3A_1 : vector<5120x1xf32> to vector<5120x128xf32>
    %mul3A_10 = arith.mulf %mul3A, %add3A : vector<5120x128xf32>
    %get3A_11 = arith.constant 0 : index
    %get3A_12 = arith.constant 0 : index
    %get3A_13 = vector.load %arg4[%get3A_11, %get3A_12] : memref<1x128xf32, #tpu.memory_space<vmem>>, vector<1x128xf32>
    %add3A_14 = vector.broadcast %get3A_13 : vector<1x128xf32> to vector<5120x128xf32>
    %add3A_15 = arith.addf %mul3A_10, %add3A_14 : vector<5120x128xf32>
    %swap3A = arith.constant 0 : index
    %swap3A_16 = arith.constant 0 : index
    %swap3A_17 = vector.load %arg5[%swap3A, %swap3A_16] : memref<5120x128xf32, #tpu.memory_space<vmem>>, vector<5120x128xf32>
    tpu.vector_store %arg5[%swap3A, %swap3A_16], %add3A_15 {strides = array<i32>} : memref<5120x128xf32, #tpu.memory_space<vmem>>, vector<5120x128xf32>,
    %mul3A_18 = arith.constant 5120 : i32
    %mul3A_19 = arith.muli %arg0, %mul3A_18 : i32
    %iota3A = tpu.iota {dimensions = array<i32: 0>} : vector<5120x1xi32>
    %add3A_20 = vector.broadcast %mul3A_19 : i32 to vector<5120x1xi32>
    %add3A_21 = arith.addi %add3A_20, %iota3A : vector<5120x1xi32>
    %lt3A = arith.constant 10000 : i32
    %lt3A_22 = vector.broadcast %lt3A : i32 to vector<5120x1xi32>
    %lt3A_23 = arith.cmpi slt, %add3A_21, %lt3A_22 : vector<5120x1xi32>
    %jit3A = arith.constant 0.000000e+00 : f32
    %broadcast_in_dim3A = vector.shape_cast %lt3A_23 : vector<5120x1xi1> to vector<5120x1xi1>
    %broadcast_in_dim3A_24 = vector.broadcast %broadcast_in_dim3A : vector<5120x1xi1> to vector<5120x128xi1>
    %broadcast_in_dim3A_25 = vector.broadcast %jit3A : f32 to vector<5120x128xf32>
    %select_n3A = arith.select %broadcast_in_dim3A_24, %add3A_15, %broadcast_in_dim3A_25 : vector<5120x128xi1>, vector<5120x128xf32>
    %eq3A = arith.constant 0 : i32
    %eq3A_26 = arith.cmpi eq, %arg0, %eq3A : i32
    %convert_element_type3A = arith.extui %eq3A_26 : i1 to i32
    %cond3A = arith.constant 0 : i32
    %cond3A_27 = arith.cmpi ne, %convert_element_type3A, %cond3A : i32
    scf.if %cond3A_27 {
      %broadcast_in_dim3A_49 = arith.constant 0.000000e+00 : f32
      %broadcast_in_dim3A_50 = vector.broadcast %broadcast_in_dim3A_49 : f32 to vector<1x128xf32>
      %swap3A_51 = arith.constant 0 : index
      %swap3A_52 = arith.constant 0 : index
      %swap3A_53 = vector.load %arg6[%swap3A_51, %swap3A_52] : memref<1x128xf32, #tpu.memory_space<vmem>>, vector<1x128xf32>
      tpu.vector_store %arg6[%swap3A_51, %swap3A_52], %broadcast_in_dim3A_50 {strides = array<i32>} : memref<1x128xf32, #tpu.memory_space<vmem>>, vector<1x128xf32>,
      %broadcast_in_dim3A_54 = arith.constant 0.000000e+00 : f32
      %broadcast_in_dim3A_55 = vector.broadcast %broadcast_in_dim3A_54 : f32 to vector<1x128xf32>
      %swap3A_56 = arith.constant 0 : index
      %swap3A_57 = arith.constant 0 : index
      %swap3A_58 = vector.load %arg7[%swap3A_56, %swap3A_57] : memref<1x128xf32, #tpu.memory_space<vmem>>, vector<1x128xf32>
      tpu.vector_store %arg7[%swap3A_56, %swap3A_57], %broadcast_in_dim3A_55 {strides = array<i32>} : memref<1x128xf32, #tpu.memory_space<vmem>>, vector<1x128xf32>,
    } else {
    }
    %get3A_28 = arith.constant 0 : index
    %get3A_29 = arith.constant 0 : index
    %get3A_30 = vector.load %arg6[%get3A_28, %get3A_29] : memref<1x128xf32, #tpu.memory_space<vmem>>, vector<1x128xf32>
    %reduce_sum3A_31 = arith.constant dense<0.000000e+00> : vector<128xf32>
    %reduce_sum3A_32 = vector.multi_reduction <add>, %select_n3A, %reduce_sum3A_31 [0] : vector<5120x128xf32> to vector<128xf32>
    %broadcast_in_dim3A_33 = vector.shape_cast %reduce_sum3A_32 : vector<128xf32> to vector<1x128xf32>
    %add3A_34 = arith.addf %get3A_30, %broadcast_in_dim3A_33 : vector<1x128xf32>
    %swap3A_35 = arith.constant 0 : index
    %swap3A_36 = arith.constant 0 : index
    %swap3A_37 = vector.load %arg6[%swap3A_35, %swap3A_36] : memref<1x128xf32, #tpu.memory_space<vmem>>, vector<1x128xf32>
    tpu.vector_store %arg6[%swap3A_35, %swap3A_36], %add3A_34 {strides = array<i32>} : memref<1x128xf32, #tpu.memory_space<vmem>>, vector<1x128xf32>,
    %get3A_38 = arith.constant 0 : index
    %get3A_39 = arith.constant 0 : index
    %get3A_40 = vector.load %arg7[%get3A_38, %get3A_39] : memref<1x128xf32, #tpu.memory_space<vmem>>, vector<1x128xf32>
    %mul3A_41 = arith.mulf %select_n3A, %select_n3A : vector<5120x128xf32>
    %reduce_sum3A_42 = arith.constant dense<0.000000e+00> : vector<128xf32>
    %reduce_sum3A_43 = vector.multi_reduction <add>, %mul3A_41, %reduce_sum3A_42 [0] : vector<5120x128xf32> to vector<128xf32>
    %broadcast_in_dim3A_44 = vector.shape_cast %reduce_sum3A_43 : vector<128xf32> to vector<1x128xf32>
    %add3A_45 = arith.addf %get3A_40, %broadcast_in_dim3A_44 : vector<1x128xf32>
    %swap3A_46 = arith.constant 0 : index
    %swap3A_47 = arith.constant 0 : index
    %swap3A_48 = vector.load %arg7[%swap3A_46, %swap3A_47] : memref<1x128xf32, #tpu.memory_space<vmem>>, vector<1x128xf32>
    tpu.vector_store %arg7[%swap3A_46, %swap3A_47], %add3A_45 {strides = array<i32>} : memref<1x128xf32, #tpu.memory_space<vmem>>, vector<1x128xf32>,
    return
  }
  func.func @transform_0(%arg0: i32) -> (i32, i32, i32) {
    %c0_i32 = arith.constant 0 : i32
    %c0_i32_0 = arith.constant 0 : i32
    %c0_i32_1 = arith.constant 0 : i32
    return %c0_i32, %arg0, %c0_i32_0 : i32, i32, i32
  }
  func.func @transform_1(%arg0: i32) -> (i32, i32) {
    %c0_i32 = arith.constant 0 : i32
    %c0_i32_0 = arith.constant 0 : i32
    return %arg0, %c0_i32 : i32, i32
  }
  func.func @transform_2(%arg0: i32) -> (i32, i32) {
    %c0_i32 = arith.constant 0 : i32
    %c0_i32_0 = arith.constant 0 : i32
    return %arg0, %c0_i32 : i32, i32
  }
  func.func @transform_3(%arg0: i32) -> (i32, i32) {
    %c0_i32 = arith.constant 0 : i32
    %c0_i32_0 = arith.constant 0 : i32
    %c0_i32_1 = arith.constant 0 : i32
    return %c0_i32, %c0_i32_0 : i32, i32
  }
  func.func @transform_4(%arg0: i32) -> (i32, i32) {
    %c0_i32 = arith.constant 0 : i32
    %c0_i32_0 = arith.constant 0 : i32
    return %arg0, %c0_i32 : i32, i32
  }
  func.func @transform_5(%arg0: i32) -> (i32, i32) {
    %c0_i32 = arith.constant 0 : i32
    %c0_i32_0 = arith.constant 0 : i32
    %c0_i32_1 = arith.constant 0 : i32
    return %c0_i32, %c0_i32_0 : i32, i32
  }
  func.func @transform_6(%arg0: i32) -> (i32, i32) {
    %c0_i32 = arith.constant 0 : i32
    %c0_i32_0 = arith.constant 0 : i32
    %c0_i32_1 = arith.constant 0 : i32
    return %c0_i32, %c0_i32_0 : i32, i32
  }
}

module attributes {stable_mosaic.version = 14 : i64} {
  func.func @body(%arg0: i32, %arg1: memref<5120x128xf32, #tpu.memory_space<vmem>>, %arg2: memref<1x128xf32, #tpu.memory_space<vmem>>, %arg3: memref<1x128xf32, #tpu.memory_space<vmem>>, %arg4: memref<1x128xf32, #tpu.memory_space<vmem>>, %arg5: memref<1x128xf32, #tpu.memory_space<vmem>>, %arg6: memref<128x128xf32, #tpu.memory_space<vmem>>, %arg7: memref<5120x1xf32, #tpu.memory_space<vmem>>, %arg8: memref<5120x128xf32, #tpu.memory_space<vmem>>) attributes {dimension_semantics = [#tpu.dimension_semantics<arbitrary>], iteration_bounds = array<i64: 2>, scalar_prefetch = 0 : i64, scratch_operands = 0 : i64, tpu.core_type = #tpu.core_type<tc>, window_params = [{transform_indices = @transform_0, window_bounds = array<i64: 5120, 128>}, {pipeline_mode = #tpu.pipeline_mode<synchronous>, transform_indices = @transform_1, window_bounds = array<i64: 1, 128>}, {pipeline_mode = #tpu.pipeline_mode<synchronous>, transform_indices = @transform_2, window_bounds = array<i64: 1, 128>}, {pipeline_mode = #tpu.pipeline_mode<synchronous>, transform_indices = @transform_3, window_bounds = array<i64: 1, 128>}, {pipeline_mode = #tpu.pipeline_mode<synchronous>, transform_indices = @transform_4, window_bounds = array<i64: 1, 128>}, {pipeline_mode = #tpu.pipeline_mode<synchronous>, transform_indices = @transform_5, window_bounds = array<i64: 128, 128>}, {transform_indices = @transform_6, window_bounds = array<i64: 5120, 1>}, {transform_indices = @transform_7, window_bounds = array<i64: 5120, 128>}]} {
    %get3A = arith.constant 0 : index
    %get3A_0 = arith.constant 0 : index
    %get3A_1 = vector.load %arg2[%get3A, %get3A_0] : memref<1x128xf32, #tpu.memory_space<vmem>>, vector<1x128xf32>
    %mul3A = arith.constant 9.99999974E-5 : f32
    %mul3A_2 = vector.broadcast %mul3A : f32 to vector<1x128xf32>
    %mul3A_3 = arith.mulf %get3A_1, %mul3A_2 : vector<1x128xf32>
    %get3A_4 = arith.constant 0 : index
    %get3A_5 = arith.constant 0 : index
    %get3A_6 = vector.load %arg3[%get3A_4, %get3A_5] : memref<1x128xf32, #tpu.memory_space<vmem>>, vector<1x128xf32>
    %mul3A_7 = arith.constant 9.99999974E-5 : f32
    %mul3A_8 = vector.broadcast %mul3A_7 : f32 to vector<1x128xf32>
    %mul3A_9 = arith.mulf %get3A_6, %mul3A_8 : vector<1x128xf32>
    %mul3A_10 = arith.mulf %mul3A_3, %mul3A_3 : vector<1x128xf32>
    %sub3A = arith.subf %mul3A_9, %mul3A_10 : vector<1x128xf32>
    %add3A = arith.constant 9.99999974E-6 : f32
    %add3A_11 = vector.broadcast %add3A : f32 to vector<1x128xf32>
    %add3A_12 = arith.addf %sub3A, %add3A_11 : vector<1x128xf32>
    %rsqrt3A = math.rsqrt %add3A_12 : vector<1x128xf32>
    %get3A_13 = arith.constant 0 : index
    %get3A_14 = arith.constant 0 : index
    %get3A_15 = vector.load %arg4[%get3A_13, %get3A_14] : memref<1x128xf32, #tpu.memory_space<vmem>>, vector<1x128xf32>
    %mul3A_16 = arith.mulf %rsqrt3A, %get3A_15 : vector<1x128xf32>
    %get3A_17 = arith.constant 0 : index
    %get3A_18 = arith.constant 0 : index
    %get3A_19 = vector.load %arg1[%get3A_17, %get3A_18] : memref<5120x128xf32, #tpu.memory_space<vmem>>, vector<5120x128xf32>
    %sub3A_20 = vector.broadcast %mul3A_3 : vector<1x128xf32> to vector<5120x128xf32>
    %sub3A_21 = arith.subf %get3A_19, %sub3A_20 : vector<5120x128xf32>
    %mul3A_22 = vector.broadcast %mul3A_16 : vector<1x128xf32> to vector<5120x128xf32>
    %mul3A_23 = arith.mulf %sub3A_21, %mul3A_22 : vector<5120x128xf32>
    %get3A_24 = arith.constant 0 : index
    %get3A_25 = arith.constant 0 : index
    %get3A_26 = vector.load %arg5[%get3A_24, %get3A_25] : memref<1x128xf32, #tpu.memory_space<vmem>>, vector<1x128xf32>
    %add3A_27 = vector.broadcast %get3A_26 : vector<1x128xf32> to vector<5120x128xf32>
    %add3A_28 = arith.addf %mul3A_23, %add3A_27 : vector<5120x128xf32>
    %max3A = arith.constant 0.000000e+00 : f32
    %max3A_29 = vector.broadcast %max3A : f32 to vector<5120x128xf32>
    %max3A_30 = arith.maximumf %add3A_28, %max3A_29 : vector<5120x128xf32>
    %get3A_31 = arith.constant 0 : index
    %get3A_32 = arith.constant 0 : index
    %get3A_33 = vector.load %arg6[%get3A_31, %get3A_32] : memref<128x128xf32, #tpu.memory_space<vmem>>, vector<128x128xf32>
    %dot_general3A = arith.constant dense<0.000000e+00> : vector<5120x128xf32>
    %dot_general3A_34 = tpu.matmul %max3A_30, %get3A_33, %dot_general3A {dimension_numbers = #tpu.dot_dimension_numbers<[1], [0], [0], [1], [0, 0, 1, 1], [], []>, transpose_lhs_hint = false} : vector<5120x128xf32>, vector<128x128xf32>, vector<5120x128xf32> -> vector<5120x128xf32>
    %get3A_35 = arith.constant 0 : index
    %get3A_36 = arith.constant 0 : index
    %get3A_37 = vector.load %arg7[%get3A_35, %get3A_36] : memref<5120x1xf32, #tpu.memory_space<vmem>>, vector<5120x1xf32>
    %mul3A_38 = vector.broadcast %get3A_37 : vector<5120x1xf32> to vector<5120x128xf32>
    %mul3A_39 = arith.mulf %dot_general3A_34, %mul3A_38 : vector<5120x128xf32>
    %swap3A = arith.constant 0 : index
    %swap3A_40 = arith.constant 0 : index
    %swap3A_41 = vector.load %arg8[%swap3A, %swap3A_40] : memref<5120x128xf32, #tpu.memory_space<vmem>>, vector<5120x128xf32>
    tpu.vector_store %arg8[%swap3A, %swap3A_40], %mul3A_39 {strides = array<i32>} : memref<5120x128xf32, #tpu.memory_space<vmem>>, vector<5120x128xf32>,
    return
  }
  func.func @transform_0(%arg0: i32) -> (i32, i32) {
    %c0_i32 = arith.constant 0 : i32
    %c0_i32_0 = arith.constant 0 : i32
    return %arg0, %c0_i32 : i32, i32
  }
  func.func @transform_1(%arg0: i32) -> (i32, i32) {
    %c0_i32 = arith.constant 0 : i32
    %c0_i32_0 = arith.constant 0 : i32
    %c0_i32_1 = arith.constant 0 : i32
    return %c0_i32, %c0_i32_0 : i32, i32
  }
  func.func @transform_2(%arg0: i32) -> (i32, i32) {
    %c0_i32 = arith.constant 0 : i32
    %c0_i32_0 = arith.constant 0 : i32
    %c0_i32_1 = arith.constant 0 : i32
    return %c0_i32, %c0_i32_0 : i32, i32
  }
  func.func @transform_3(%arg0: i32) -> (i32, i32) {
    %c0_i32 = arith.constant 0 : i32
    %c0_i32_0 = arith.constant 0 : i32
    %c0_i32_1 = arith.constant 0 : i32
    return %c0_i32, %c0_i32_0 : i32, i32
  }
  func.func @transform_4(%arg0: i32) -> (i32, i32) {
    %c0_i32 = arith.constant 0 : i32
    %c0_i32_0 = arith.constant 0 : i32
    %c0_i32_1 = arith.constant 0 : i32
    return %c0_i32, %c0_i32_0 : i32, i32
  }
  func.func @transform_5(%arg0: i32) -> (i32, i32) {
    %c0_i32 = arith.constant 0 : i32
    %c0_i32_0 = arith.constant 0 : i32
    %c0_i32_1 = arith.constant 0 : i32
    return %c0_i32, %c0_i32_0 : i32, i32
  }
  func.func @transform_6(%arg0: i32) -> (i32, i32) {
    %c0_i32 = arith.constant 0 : i32
    %c0_i32_0 = arith.constant 0 : i32
    return %arg0, %c0_i32 : i32, i32
  }
  func.func @transform_7(%arg0: i32) -> (i32, i32) {
    %c0_i32 = arith.constant 0 : i32
    %c0_i32_0 = arith.constant 0 : i32
    return %arg0, %c0_i32 : i32, i32
  }
}

module attributes {stable_mosaic.version = 14 : i64} {
  func.func @body(%arg0: i32, %arg1: memref<2x5120x128xf32, #tpu.memory_space<vmem>>, %arg2: memref<5120x128xf32, #tpu.memory_space<vmem>>, %arg3: memref<5120x1xf32, #tpu.memory_space<vmem>>, %arg4: memref<1x64xf32, #tpu.memory_space<vmem>>, %arg5: memref<5120x64xf32, #tpu.memory_space<vmem>>) attributes {dimension_semantics = [#tpu.dimension_semantics<arbitrary>], iteration_bounds = array<i64: 2>, scalar_prefetch = 0 : i64, scratch_operands = 0 : i64, tpu.core_type = #tpu.core_type<tc>, window_params = [{transform_indices = @transform_0, window_bounds = array<i64: 2, 5120, 128>}, {transform_indices = @transform_1, window_bounds = array<i64: 5120, 128>}, {transform_indices = @transform_2, window_bounds = array<i64: 5120, 1>}, {pipeline_mode = #tpu.pipeline_mode<synchronous>, transform_indices = @transform_3, window_bounds = array<i64: 1, 64>}, {transform_indices = @transform_4, window_bounds = array<i64: 5120, 64>}]} {
    %get3A = arith.constant 0 : index
    %get3A_0 = arith.constant 0 : index
    %get3A_1 = vector.load %arg3[%get3A, %get3A_0] : memref<5120x1xf32, #tpu.memory_space<vmem>>, vector<5120x1xf32>
    %get3A_2 = arith.constant 0 : index
    %get3A_3 = arith.constant 0 : index
    %get3A_4 = arith.constant 0 : index
    %get3A_5 = vector.load %arg1[%get3A_2, %get3A_3, %get3A_4] : memref<2x5120x128xf32, #tpu.memory_space<vmem>>, vector<2x5120x128xf32>
    %reduce_sum3A = arith.constant dense<0.000000e+00> : vector<5120x128xf32>
    %reduce_sum3A_6 = vector.multi_reduction <add>, %get3A_5, %reduce_sum3A [0] : vector<2x5120x128xf32> to vector<5120x128xf32>
    %get3A_7 = arith.constant 0 : index
    %get3A_8 = arith.constant 0 : index
    %get3A_9 = vector.load %arg2[%get3A_7, %get3A_8] : memref<5120x128xf32, #tpu.memory_space<vmem>>, vector<5120x128xf32>
    %add3A = arith.addf %reduce_sum3A_6, %get3A_9 : vector<5120x128xf32>
    %mul3A = vector.broadcast %get3A_1 : vector<5120x1xf32> to vector<5120x128xf32>
    %mul3A_10 = arith.mulf %mul3A, %add3A : vector<5120x128xf32>
    %slice3A = vector.extract_strided_slice %mul3A_10 {offsets = [0, 0], sizes = [5120, 64], strides = [1, 1]} : vector<5120x128xf32> to vector<5120x64xf32>
    %get3A_11 = arith.constant 0 : index
    %get3A_12 = arith.constant 0 : index
    %get3A_13 = vector.load %arg4[%get3A_11, %get3A_12] : memref<1x64xf32, #tpu.memory_space<vmem>>, vector<1x64xf32>
    %add3A_14 = vector.broadcast %get3A_13 : vector<1x64xf32> to vector<5120x64xf32>
    %add3A_15 = arith.addf %slice3A, %add3A_14 : vector<5120x64xf32>
    %swap3A = arith.constant 0 : index
    %swap3A_16 = arith.constant 0 : index
    %swap3A_17 = vector.load %arg5[%swap3A, %swap3A_16] : memref<5120x64xf32, #tpu.memory_space<vmem>>, vector<5120x64xf32>
    tpu.vector_store %arg5[%swap3A, %swap3A_16], %add3A_15 {strides = array<i32>} : memref<5120x64xf32, #tpu.memory_space<vmem>>, vector<5120x64xf32>,
    return
  }
  func.func @transform_0(%arg0: i32) -> (i32, i32, i32) {
    %c0_i32 = arith.constant 0 : i32
    %c0_i32_0 = arith.constant 0 : i32
    %c0_i32_1 = arith.constant 0 : i32
    return %c0_i32, %arg0, %c0_i32_0 : i32, i32, i32
  }
  func.func @transform_1(%arg0: i32) -> (i32, i32) {
    %c0_i32 = arith.constant 0 : i32
    %c0_i32_0 = arith.constant 0 : i32
    return %arg0, %c0_i32 : i32, i32
  }
  func.func @transform_2(%arg0: i32) -> (i32, i32) {
    %c0_i32 = arith.constant 0 : i32
    %c0_i32_0 = arith.constant 0 : i32
    return %arg0, %c0_i32 : i32, i32
  }
  func.func @transform_3(%arg0: i32) -> (i32, i32) {
    %c0_i32 = arith.constant 0 : i32
    %c0_i32_0 = arith.constant 0 : i32
    %c0_i32_1 = arith.constant 0 : i32
    return %c0_i32, %c0_i32_0 : i32, i32
  }
  func.func @transform_4(%arg0: i32) -> (i32, i32) {
    %c0_i32 = arith.constant 0 : i32
    %c0_i32_0 = arith.constant 0 : i32
    return %arg0, %c0_i32 : i32, i32
  }
}

</mosaic_0001>

<sc_bundles>
// kernel: kernel.12.cloned.1.call-start
scs
__scs_entry_jumppad:
0x0: {  	(pc) =	sbr.rel $0x88, $3  }
0x1: {  	(tag) =	ssettag $0x0;
	lr =	simm.s32 $0x1  }
0x2: {  	[smem:$0x3F99] =	sst lr;
	_ =	strace $0xD0000000  }
0x3: {  	_ = 	snop  }
0x4: {  	_ = 	snop  }
0x5: {  	_ = 	snop  }
0x6: {  	_ = 	snop  }
0x7: {  	_ = 	snop  }
__scs_overlays_trampoline_lowered:
0x8: {  	[smem:$0x3FA8] =	sst s0  }
0x9: {  	[smem:$0x3FA9] =	sst s1  }
0xa: {  	[smem:$0x3FAA] =	sst s2  }
0xb: {  	[smem:$0x3FAB] =	sst s3  }
0xc: {  	[smem:$0x3FAC] =	sst s4  }
0xd: {  	[smem:$0x3FAD] =	sst s5  }
0xe: {  	[smem:$0x3FAE] =	sst s6  }
0xf: {  	[smem:$0x3FAF] =	sst s7  }
0x10: {  	[smem:$0x3FB0] =	sst s8  }
0x11: {  	[smem:$0x3FB1] =	sst s9;
	s0 =	simm.s32 @!p0 $0x0  }
0x12: {  	s1 =	sld [smem:$0x3F97];
	s0 =	simm.s32 @p0 $0x1  }
0x13: {  	[smem:$0x3FB2] =	sst s0;
	s0 =	simm.s32 @!p1 $0x0  }
0x14: {  	s2 =	sld [smem:$0x3F96];
	s0 =	simm.s32 @p1 $0x1  }
0x15: {  	[smem:$0x3FB3] =	sst s0;
	s0 =	simm.s32 @!p2 $0x0  }
0x16: {  	s3 =	sld [smem:$0x3FDB];
	s0 =	simm.s32 @p2 $0x1  }
0x17: {  	s4 =	simm.s32 $0x1BF5;
	[smem:$0x3FB5] =	sst s0  }
0x18: {  	s0 =	sld [smem:$0x3F98];
	_ =	swait.ge [sflag:s4], $0x0  }
0x19: {  	s7 =	sld [smem:$0x3F99]  }
0x1a: {  	s8 =	sadd.s32 $0xFFFFE003, lr  }
0x1b: {  	s9 =	sadd.s32 $0xFFFFFEF7, lr;
	s5 =	simm.s32 $0xFFFFFFFF;
	p2 =	slt.u32 s8, $0xFFFFF086  }
0x1c: {  	p1 =	slt.u32 s9, $0xF7A;
	s5 =	simm.s32 @!p2 $0x0  }
0x1d: {  	s5 =	simm.s32 @p1 $0x1;
	p0 =	seq.s32 s7, s2  }
0x1e: {  	s7 =	smul.u32 @!p0 $0xF7A, s2;
	p2 =	seq.s32 @!p0 s5, $0x0  }
0x1f: {  	s9 =	smul.u32 $0xF7A, s1;
	s8 =	simm.s32 @!p0 $0x1BF5;
	p2 =	por !p2, p0  }
0x20: {  	[sflag:s8] =	ssyncset.s32 @!p0 $0xFFFFF086;
	s6 =	sadd.s32 @!p0 s3, s7;
	s7 =	simm.s32 @!p0 $0x108  }
0x21: {  	s3 =	sadd.s32 s3, s9;
	s6 =	sadd.s32 @!p0 $0x88, s6;
	s7 =	simm.s32 @p2 $0x1082  }
0x22: {  	[simem:s7], [sflag:s8] =	dma.local @!p0 [hbm:s6], $0xF7A  }
0x23: {  	s9 =	sor.u32 $0xD0000000, s2;
	s6 =	simm.s32 $0x108;
	_ =	swait.ge @!p0 [sflag:s8], $0x0  }
0x24: {  	s3 =	sadd.s32 $0x88, s3;
	s6 =	simm.s32 @!p1 $0x1082;
	[sflag:s4] =	ssyncset.s32 $0xFFFFF086  }
0x25: {  	[simem:s6], [sflag:s4] =	dma.local [hbm:s3], $0xF7A  }
0x26: {  	[smem:$0x3F99] =	sst s1;
	(tag) =	ssettag s2;
	_ =	strace s9  }
0x27: {  	s1 =	sld [smem:$0x3FA9]  }
0x28: {  	s2 =	sld [smem:$0x3FAA]  }
0x29: {  	s4 =	sld [smem:$0x3FAC]  }
0x2a: {  	p0 =	seq.s32 s5, $0x0;
	s5 =	sld [smem:$0x3FAD]  }
0x2b: {  	s6 =	sld [smem:$0x3FAE]  }
0x2c: {  	s7 =	sld [smem:$0x3FAF]  }
0x2d: {  	s3 =	simm.s32 $0x108;
	s8 =	sld [smem:$0x3FB0]  }
0x2e: {  	s3 =	simm.s32 @!p0 $0x1082;
	s9 =	sld [smem:$0x3FB1]  }
0x2f: {  	lr =	sadd.s32 s0, s3;
	s0 =	sld [smem:$0x3FA8]  }
0x30: {  	s3 =	sld [smem:$0x3FAB]  }
0x31: {  	[smem:$0x3FB4] =	sst s10  }
0x32: {  	s10 =	sld [smem:$0x3FB2];
	_ =	sdelay $0x3  }
0x33: {  	p0 =	seq.s32 s10, $0x1;
	s10 =	sld [smem:$0x3FB4];
	_ =	sdelay $0x3  }
0x34: {  	[smem:$0x3FB4] =	sst s10  }
0x35: {  	s10 =	sld [smem:$0x3FB3];
	_ =	sdelay $0x3  }
0x36: {  	p1 =	seq.s32 s10, $0x1;
	s10 =	sld [smem:$0x3FB4];
	_ =	sdelay $0x3  }
0x37: {  	[smem:$0x3FB4] =	sst s10  }
0x38: {  	s10 =	sld [smem:$0x3FB5]  }
0x39: {  	_ = 	snop;
	(pc) =	sbr.ind lr, $3  }
0x3a: {  	_ = 	snop  }
0x3b: {  	_ = 	snop  }
0x3c: {  	p2 =	seq.s32 s10, $0x1;
	s10 =	sld [smem:$0x3FB4]  }
0x3d: {  	_ =	shalt  }
0x3e: {  	_ =	shalt  }
0x3f: {  	_ =	shalt  }
0x40: {  	_ =	shalt  }
0x41: {  	_ =	shalt  }
0x42: {  	_ =	shalt  }
0x43: {  	_ =	shalt  }
0x44: {  	_ =	shalt  }
0x45: {  	_ =	shalt  }
0x46: {  	_ =	shalt  }
0x47: {  	_ =	shalt  }
0x48: {  	_ =	shalt  }
0x49: {  	_ =	shalt  }
0x4a: {  	_ =	shalt  }
0x4b: {  	_ =	shalt  }
0x4c: {  	_ =	shalt  }
0x4d: {  	_ =	shalt  }
0x4e: {  	_ =	shalt  }
0x4f: {  	_ =	shalt  }
0x50: {  	_ =	shalt  }
0x51: {  	_ =	shalt  }
0x52: {  	_ =	shalt  }
0x53: {  	_ =	shalt  }
0x54: {  	_ =	shalt  }
0x55: {  	_ =	shalt  }
0x56: {  	_ =	shalt  }
0x57: {  	_ =	shalt  }
0x58: {  	_ =	shalt  }
0x59: {  	_ =	shalt  }
0x5a: {  	_ =	shalt  }
0x5b: {  	_ =	shalt  }
0x5c: {  	_ =	shalt  }
0x5d: {  	_ =	shalt  }
0x5e: {  	_ =	shalt  }
0x5f: {  	_ =	shalt  }
0x60: {  	_ =	shalt  }
0x61: {  	_ =	shalt  }
0x62: {  	_ =	shalt  }
0x63: {  	_ =	shalt  }
0x64: {  	_ =	shalt  }
0x65: {  	_ =	shalt  }
0x66: {  	_ =	shalt  }
0x67: {  	_ =	shalt  }
0x68: {  	_ =	shalt  }
0x69: {  	_ =	shalt  }
0x6a: {  	_ =	shalt  }
0x6b: {  	_ =	shalt  }
0x6c: {  	_ =	shalt  }
0x6d: {  	_ =	shalt  }
0x6e: {  	_ =	shalt  }
0x6f: {  	_ =	shalt  }
0x70: {  	_ =	shalt  }
0x71: {  	_ =	shalt  }
0x72: {  	_ =	shalt  }
0x73: {  	_ =	shalt  }
0x74: {  	_ =	shalt  }
0x75: {  	_ =	shalt  }
0x76: {  	_ =	shalt  }
0x77: {  	_ =	shalt  }
0x78: {  	_ =	shalt  }
0x79: {  	_ =	shalt  }
0x7a: {  	_ =	shalt  }
0x7b: {  	_ =	shalt  }
0x7c: {  	_ =	shalt  }
0x7d: {  	_ =	shalt  }
0x7e: {  	_ =	shalt  }
0x7f: {  	_ =	shalt  }
0x80: {  	_ =	shalt  }
0x81: {  	_ =	shalt  }
0x82: {  	_ =	shalt  }
0x83: {  	_ =	shalt  }
0x84: {  	_ =	shalt  }
0x85: {  	_ =	shalt  }
0x86: {  	_ =	shalt  }
0x87: {  	_ =	shalt  }
.Lfunc_end0:
.L_simem_size_0:
called_computation.1_lowered:
.L_overlay_start_0:
0x88: {  	s2 =	sld [smem:$0x3FD9]  }
0x89: {  	s3 =	sld [smem:$0x3FFE];
	_ =	sdelay $0x1  }
0x8a: {  	s1 =	srdreg.scid  }
0x8b: {  	s0 =	sand.u32 $0x1, s1  }
0x8c: {  	s17 =	sshll.u32 s0, $0xA;
	s2 =	sadd.s32 s3, s2  }
0x8d: {  	s2 =	sadd.s32 s2, s17  }
0x8e: {  	[smem:$0x3FC0] =	sst s2  }
0x8f: {  	_ = 	snop  }
0x90: {  	s2 =	sld [smem:$0x3FD0];
	(tm) =	ssettm $0x1  }
0x91: {  	s18 =	sld [smem:$0x3FFB];
	_ =	sdelay $0x3  }
0x92: {  	_ =	strace s18  }
0x93: {  	s3 =	sld [smem:$0x3FFC];
	_ =	sdelay $0x3  }
0x94: {  	_ =	strace s3  }
0x95: {  	s3 =	sld [smem:$0x3FFD];
	_ =	sdelay $0x3  }
0x96: {  	_ =	strace s3  }
0x97: {  	_ =	strace $0x8FFFFFFF  }
0x98: {  	s19 =	sld [smem:$0x3FDB];
	_ =	sdelay $0x1  }
0x99: {  	s4 =	simm.s32 $_scs_section_size  }
0x9a: {  	s5 =	simm.s32 $_size__tile_overlayer_lowered;
	s6 =	simm.s32 $_tile_overlayer_lowered  }
0x9b: {  	s22 =	simm.s32 $0x1BFF;
	s21 =	sshll.u32 s6, $0x1;
	s3 =	sadd.s32 s4, s19  }
0x9c: {  	s7 =	simm.s32 $0x0;
	s20 =	sshll.u32 s5, $0x1;
	s5 =	sadd.s32 s21, s3  }
0x9d: {  	[timem:s7], [sflag:s22] =	dma.local [hbm:s5], s20  }
0x9e: {  	_ =	swait.ge [sflag:s22], s20  }
0x9f: {  	s4 =	ssub.s32 $0x0, s20;
	[sflag:s22] =	ssyncset.done $0x0  }
0xa0: {  	[sflag:s22] =	ssyncadd.s32 s4;
	_ =	sdelay $0x1  }
0xa1: {  	s23 =	simm.s32 $0x1B8B  }
0xa2: {  	_ =	swait.ge [sflag:s23], $0x1  }
0xa3: {  	[sflag:s23] =	ssyncset.done $0x0  }
0xa4: {  	s25 =	simm.s32 $0x1B8E;
	s24 =	sld [smem:$0x3FFE];
	[sflag:s23] =	ssyncadd.s32 $0xFFFFFFFF  }
0xa5: {  	s26 =	simm.s32 $execute0_lowered;
	[smem:$0x3FD2] =	sst s25  }
0xa6: {  	s5 =	sshll.u32 s26, $0x1;
	_ =	strace $0x80000049;
	[dreg:$0x1] =	wrdreg $0xFFFFFFFF  }
0xa7: {  	s28 =	simm.s32 $_size_execute0_lowered;
	s3 =	sadd.s32 s3, s5;
	[dreg:$0x0] =	wrdreg $0x0  }
0xa8: {  	s5 =	sshll.u32 s28, $0x1;
	[dreg:$0x2] =	wrdreg s3  }
0xa9: {  	[dreg:$0x3] =	wrdreg s5  }
0xaa: {  	[dreg:$0x4] =	wrdreg $0xC0  }
0xab: {  	_ =	task [dreg:s7], $0x5FFFF  }
0xac: {  	[dreg:$0x1] =	wrdreg $0xFFFFFFFF  }
0xad: {  	[dreg:$0x0] =	wrdreg $0x60  }
0xae: {  	[dreg:$0x2] =	wrdreg s24  }
0xaf: {  	[dreg:$0x3] =	wrdreg s2  }
0xb0: {  	[dreg:$0x4] =	wrdreg $0x90000  }
0xb1: {  	[dreg:$0x5] =	wrdreg $0x9  }
0xb2: {  	_ =	task.clear_ibuf [dreg:s7], $0x6FFFF;
	_ =	strace $0x90000049  }
0xb3: {  	s29 =	simm.s32 $0x9;
	_ =	strace $0x8000004B  }
0xb4: {  	_ =	swait.ge [sflag:s29], $0x1  }
0xb5: {  	[sflag:s29] =	ssyncadd.s32 $0xFFFFFFFF  }
0xb6: {  	_ =	strace $0x9000004B  }
0xb7: {  	_ =	sfence  }
0xb8: {  	s30 =	sld [smem:$0x0];
	_ =	sdelay $0x2  }
0xb9: {  	s31 =	sshll.u32 s1, $0xD;
	s1 =	sshrl.u32 s1, $0x2  }
0xba: {  	s3 =	sand.u32 $0x4000, s31;
	s1 =	sadd.s32 s1, s30  }
0xbb: {  	s0 =	sor.u32 s3, s0;
	s1 =	sshll.u32 s1, $0x11  }
0xbc: {  	s0 =	sor.u32 s1, s0  }
0xbd: {  	s0 =	sadd.s32 $0x8F2B, s0  }
0xbe: {  	[sflag:s0] =	ssyncadd.remote.s32 $0x1  }
0xbf: {  	_ =	sfence.sel $0xFFFF  }
0xc0: {  	[dreg:$0x0] =	wrdreg $0xFFFFFFFF;
	(pc) =	sbr.abs _section_cstart, $3  }
0xc1: {  	[dreg:$0x1] =	wrdreg $0xFFFFFFFF  }
0xc2: {  	_ =	task.clear_ibuf [dreg:s7], $0x2FFFF;
	_ =	strace $0x9FFFFFFF  }
0xc3: {  	(tm) =	ssettm $0x7FFFFFFF  }
tec
execute0_lowered:
.L_overlay_start_1:
0x0: {  	(tag) =	ssettag $0x1  }
0x1: {  	s5 =	rddreg [dreg:$0x0]  }
0x2: {  	s6 =	rddreg [dreg:$0x1]  }
0x3: {  	s1 =	rddreg [dreg:$0x2];
	s2 =	srdreg.scid  }
0x4: {  	s0 =	rddreg [dreg:$0x3];
	s3 =	simm.s32 $0x0;
	s15 =	simm.s32 $0x2800  }
0x5: {  	s16 =	simm.s32 $0x5000;
	s17 =	simm.s32 $0x80;
	s18 =	simm.s32 $0x1  }
0x6: {  	s21 =	simm.s32 $0x0;
	s7 =	sand.u32 $0x1, s2;
	s2 =	stileid.u32  }
0x7: {  	[smem:$0x7FF] =	sst s3;
	s4 =	sshll.u32 s7, $0x4;
	s8 =	smul.u32 $0x140000, s7  }
0x8: {  	s10 =	smul.u32 $0x14000, s2;
	_ =	strace $0x8000004A;
	s7 =	ssub.s32 $0x2, s7  }
0x9: {  	s30 =	smul.u32 $0x50000, s2;
	s19 =	sshll.u32 s2, $0x6;
	s9 =	sor.u32 s2, s4  }
0xa: {  	s4 =	sadd.s32 $0xD600, s5;
	s12 =	sshrl.u32 s7, $0x1;
	s19 =	sor.u32 $0x1C02, s19  }
0xb: {  	s9 =	smul.u32 $0x500, s9;
	s8 =	sadd.s32 s10, s8;
	s31 =	sshrl.u32 s30, $0x2  }
0xc: {  	s14 =	ssub.s32 s7, s12;
	s8 =	sshrl.u32 s8, $0x3;
	s7 =	sadd.s32 s31, s1  }
0xd: {  	s11 =	sadd.s32 s9, s5;
	s13 =	sadd.s32 s8, s5;
	s6 =	sadd.s32 s6, s9  }
0xe: {  	s8 =	sadd.s32 $0x4000, s7;
	s9 =	sadd.s32 $0x8000, s7;
	s10 =	sadd.s32 $0xC000, s7  }
0xf: {  	s20 =	sshrl.u32 s7, $0x3;
	s5 =	sadd.s32 $0x3600, s11;
	s11 =	sadd.s32 $0x10000, s7  }
0x10: {  	v0 =	vimm.f32 $0.0e+00;
	s12 =	sadd.s32 $0x35600, s13;
	s13 =	smax.u32 s14, $0x1;
	s14 =	simm.s32 $0x2  }
.LBB2_1:
0x11: {  	[tilespmem:s3], [sflag:$0x2] =	stream.linear.gather [hbm4b:s5+s3], $0x2780, $0x38;
	[tilespmem:$0x1D000] =	vst v63  }
0x12: {  	_ =	swait.ge [sflag:s14], $0x2780  }
0x13: {  	[sflag:s14] =	ssyncset.done $0x0  }
0x14: {  	[sflag:s14] =	ssyncadd.s32 $0xFFFFD880  }
0x15: {  	[tilespmem:s15], [sflag:$0x2] =	stream.linear.gather [hbm4b:s6+s3], $0x2780, $0x38;
	[tilespmem:$0x1D000] =	vst v63  }
0x16: {  	_ =	swait.ge [sflag:s14], $0x2780  }
0x17: {  	[sflag:s14] =	ssyncset.done $0x0  }
0x18: {  	s22 =	simm.s32 $0x0;
	s23 =	simm.s32 $0x200;
	[sflag:s14] =	ssyncadd.s32 $0xFFFFD880  }
.LBB2_2:
0x19: {  	p0 =	sne.s32 s23, $0xFE00;
	[tilespmem:s22+$0x5070] =	vst v0  }
0x1a: {  	[tilespmem:s22+$0x5000] =	vst v0  }
0x1b: {  	[tilespmem:s22+$0x5010] =	vst v0  }
.Ltmp0:
0x1c: {  	[tilespmem:s22+$0x5020] =	vst v0;
	(pc) =	sbr.rel @p0 .LBB2_2-.Ltmp0, $4  }
0x1d: {  	[tilespmem:s22+$0x5030] =	vst v0  }
0x1e: {  	[tilespmem:s22+$0x5040] =	vst v0  }
0x1f: {  	[tilespmem:s22+$0x5050] =	vst v0  }
0x20: {  	[tilespmem:s22+$0x5060] =	vst v0;
	s22 =	sshra.s32 s23, $0x2;
	s23 =	sadd.s32 $0x200, s23  }
0x21: {  	[tilespmem:s22+$0x5070] =	vst v0  }
0x22: {  	[tilespmem:s22+$0x5000] =	vst v0  }
0x23: {  	[tilespmem:s22+$0x5010] =	vst v0  }
0x24: {  	[tilespmem:s22+$0x5020] =	vst v0  }
0x25: {  	[tilespmem:s22+$0x5030] =	vst v0  }
0x26: {  	[tilespmem:s22+$0x5040] =	vst v0  }
0x27: {  	[tilespmem:s22+$0x5050] =	vst v0  }
0x28: {  	[tilespmem:s22+$0x5060] =	vst v0  }
0x29: {  	[spmem:s7] =	stream.linear.scatter [tilespmem:s16], [sflag:$0x2], $0x4000, $0x38;
	[tilespmem:$0x1D000] =	vst v63  }
0x2a: {  	_ =	swait.ge [sflag:s14], $0x4000  }
0x2b: {  	[sflag:s14] =	ssyncset.done $0x0  }
0x2c: {  	[sflag:s14] =	ssyncadd.s32 $0xFFFFC000  }
0x2d: {  	[spmem:s8] =	stream.linear.scatter [tilespmem:s16], [sflag:$0x2], $0x4000, $0x38;
	[tilespmem:$0x1D000] =	vst v63  }
0x2e: {  	_ =	swait.ge [sflag:s14], $0x4000  }
0x2f: {  	[sflag:s14] =	ssyncset.done $0x0  }
0x30: {  	[sflag:s14] =	ssyncadd.s32 $0xFFFFC000  }
0x31: {  	[spmem:s9] =	stream.linear.scatter [tilespmem:s16], [sflag:$0x2], $0x4000, $0x38;
	[tilespmem:$0x1D000] =	vst v63  }
0x32: {  	_ =	swait.ge [sflag:s14], $0x4000  }
0x33: {  	[sflag:s14] =	ssyncset.done $0x0  }
0x34: {  	[sflag:s14] =	ssyncadd.s32 $0xFFFFC000  }
0x35: {  	[spmem:s10] =	stream.linear.scatter [tilespmem:s16], [sflag:$0x2], $0x4000, $0x38;
	[tilespmem:$0x1D000] =	vst v63  }
0x36: {  	_ =	swait.ge [sflag:s14], $0x4000  }
0x37: {  	[sflag:s14] =	ssyncset.done $0x0  }
0x38: {  	[sflag:s14] =	ssyncadd.s32 $0xFFFFC000  }
0x39: {  	[spmem:s11] =	stream.linear.scatter [tilespmem:s16], [sflag:$0x2], $0x4000, $0x38;
	[tilespmem:$0x1D000] =	vst v63  }
0x3a: {  	_ =	swait.ge [sflag:s14], $0x4000  }
0x3b: {  	[sflag:s14] =	ssyncset.done $0x0  }
0x3c: {  	[sflag:s14] =	ssyncadd.s32 $0xFFFFC000  }
0x3d: {  	s30 =	simm.s32 $0x0;
	[bflag:$0x0] =	sbarrier.arrive $0xFFFF  }
0x3e: {  	[tilespmem:s16], [sflag:$0x1] =	stream.indirect.gather [hbm4b:s4+s17], $0x80, s30, s17, $0xb8;
	[tilespmem:$0x1D000] =	vst v63  }
0x3f: {  	_ =	swait.ge [sflag:s18], $0x4000  }
0x40: {  	[sflag:s18] =	ssyncset.done $0x0  }
0x41: {  	s31 =	simm.s32 $0x2800;
	[sflag:s18] =	ssyncadd.s32 $0xFFFFC000  }
0x42: {  	[spmem:s1] =	stream.indirect.scatter.add.f32 [tilespmem:s16], [sflag:$0x2], $0x80, s31, s17, $0xb8;
	[tilespmem:$0x1D000] =	vst v63  }
0x43: {  	_ =	swait.ge [sflag:s14], $0x4000  }
0x44: {  	s22 =	simm.s32 $0x200;
	s23 =	simm.s32 $0x400;
	[sflag:s14] =	ssyncset.done $0x0  }
.LBB2_4:
0x45: {  	s24 =	sshra.s32 s22, $0x2  }
0x46: {  	[sflag:s14] =	ssyncadd.s32 $0xFFFFC000;
	s22 =	smov.u32 s23;
	s25 =	sadd.s32 $0x200, s23  }
0x47: {  	[tilespmem:s16], [sflag:$0x1] =	stream.indirect.gather [hbm4b:s4+s17], $0x80, s24, s17, $0xb8;
	[tilespmem:$0x1D000] =	vst v63  }
0x48: {  	p0 =	sne.s32 s23, $0x9C00;
	_ =	swait.ge [sflag:s18], $0x4000  }
.Ltmp1:
0x49: {  	[sflag:s18] =	ssyncset.done $0x0;
	(pc) =	sbr.rel @p0 .LBB2_4-.Ltmp1, $4  }
0x4a: {  	s23 =	sadd.s32 $0x2800, s24;
	[sflag:s18] =	ssyncadd.s32 $0xFFFFC000  }
0x4b: {  	[spmem:s1] =	stream.indirect.scatter.add.f32 [tilespmem:s16], [sflag:$0x2], $0x80, s23, s17, $0xb8;
	[tilespmem:$0x1D000] =	vst v63  }
0x4c: {  	_ =	swait.ge [sflag:s14], $0x4000  }
0x4d: {  	s23 =	smov.u32 s25;
	[sflag:s14] =	ssyncset.done $0x0  }
0x4e: {  	s22 =	sshra.s32 s22, $0x2;
	[sflag:s14] =	ssyncadd.s32 $0xFFFFC000  }
0x4f: {  	[tilespmem:s16], [sflag:$0x1] =	stream.indirect.gather [hbm4b:s4+s17], $0x80, s22, s17, $0xb8;
	[tilespmem:$0x1D000] =	vst v63  }
0x50: {  	_ =	swait.ge [sflag:s18], $0x4000  }
0x51: {  	[sflag:s18] =	ssyncset.done $0x0  }
0x52: {  	s22 =	sadd.s32 $0x2800, s22;
	[sflag:s18] =	ssyncadd.s32 $0xFFFFC000  }
0x53: {  	[spmem:s1] =	stream.indirect.scatter.add.f32 [tilespmem:s16], [sflag:$0x2], $0x80, s22, s17, $0xb8;
	[tilespmem:$0x1D000] =	vst v63  }
0x54: {  	_ =	swait.ge [sflag:s14], $0x4000  }
0x55: {  	s21 =	sadd.s32 $0x1, s21;
	[sflag:s14] =	ssyncset.done $0x0  }
0x56: {  	p0 =	sne.s32 s21, s13;
	[sflag:s14] =	ssyncadd.s32 $0xFFFFC000  }
.Ltmp2:
0x57: {  	[bflag:$0x0] =	sbarrier.arrive $0xFFFF;
	(pc) =	sbr.rel @p0 .LBB2_1-.Ltmp2, $4  }
0x58: {  	[hbm:s12], [sflag:s19] =	dma.local [spmem:s20], $0x2800  }
0x59: {  	_ =	swait.ge [sflag:s14], $0x2800  }
0x5a: {  	[sflag:s14] =	ssyncset.done $0x0  }
0x5b: {  	[sflag:s14] =	ssyncadd.s32 $0xFFFFD800  }
0x5c: {  	_ =	sfence.sel $0x180000  }
0x5d: {  	[bflag:$0x0] =	sbarrier.arrive $0xFFFF  }
0x5e: {  	p0 =	sne.s32 s2, $0x0;
	_ =	strace $0x9000004A  }
0x5f: {  	s0 =	sadd.s32 @!p0 $0x100000, s0;
	[bflag:$0x2] =	sbarrier.arrive $0xFFFF  }
0x60: {  	[sflag:s0] =	ssyncadd.tile.s32 @!p0 $0x1;
	_ =	shalt  }
.Lfunc_end2:
_tile_overlayer_lowered:
.L_overlay_start_2:
0x61: {  	(tag) =	ssettag $0x2  }
0x62: {  	s0 =	rddreg [dreg:$0x0];
	s2 =	stileid.u32  }
0x63: {  	s1 =	rddreg [dreg:$0x1];
	p0 =	sne.s32 s2, $0x0  }
0x64: {  	s3 =	rddreg [dreg:$0x2];
	[bflag:$0x3] =	sbarrier.arrive $0xFFFF;
	s2 =	simm.s32 @!p0 $0x1C02  }
0x65: {  	[timem:s3], [sflag:s2] =	dma.local @!p0 [hbm:s0], s1  }
0x66: {  	s0 =	simm.s32 @!p0 $0x2  }
0x67: {  	_ =	swait.ge @!p0 [sflag:s0], s1  }
0x68: {  	s1 =	ssub.s32 @!p0 $0x0, s1;
	[sflag:s0] =	ssyncset.done @!p0 $0x0  }
0x69: {  	[sflag:s0] =	ssyncadd.s32 @!p0 s1  }
0x6a: {  	[bflag:$0x3] =	sbarrier.arrive $0xFFFF  }
0x6b: {  	_ =	shalt  }

// kernel: kernel.15.cloned.1.call-start
scs
__scs_entry_jumppad:
0x0: {  	(pc) =	sbr.rel $0x88, $3  }
0x1: {  	(tag) =	ssettag $0x0;
	lr =	simm.s32 $0x1  }
0x2: {  	[smem:$0x3F99] =	sst lr;
	_ =	strace $0xD0000000  }
0x3: {  	_ = 	snop  }
0x4: {  	_ = 	snop  }
0x5: {  	_ = 	snop  }
0x6: {  	_ = 	snop  }
0x7: {  	_ = 	snop  }
__scs_overlays_trampoline_lowered:
0x8: {  	[smem:$0x3FA8] =	sst s0  }
0x9: {  	[smem:$0x3FA9] =	sst s1  }
0xa: {  	[smem:$0x3FAA] =	sst s2  }
0xb: {  	[smem:$0x3FAB] =	sst s3  }
0xc: {  	[smem:$0x3FAC] =	sst s4  }
0xd: {  	[smem:$0x3FAD] =	sst s5  }
0xe: {  	[smem:$0x3FAE] =	sst s6  }
0xf: {  	[smem:$0x3FAF] =	sst s7  }
0x10: {  	[smem:$0x3FB0] =	sst s8  }
0x11: {  	[smem:$0x3FB1] =	sst s9;
	s0 =	simm.s32 @!p0 $0x0  }
0x12: {  	s1 =	sld [smem:$0x3F97];
	s0 =	simm.s32 @p0 $0x1  }
0x13: {  	[smem:$0x3FB2] =	sst s0;
	s0 =	simm.s32 @!p1 $0x0  }
0x14: {  	s2 =	sld [smem:$0x3F96];
	s0 =	simm.s32 @p1 $0x1  }
0x15: {  	[smem:$0x3FB3] =	sst s0;
	s0 =	simm.s32 @!p2 $0x0  }
0x16: {  	s3 =	sld [smem:$0x3FDB];
	s0 =	simm.s32 @p2 $0x1  }
0x17: {  	s4 =	simm.s32 $0x1BF5;
	[smem:$0x3FB5] =	sst s0  }
0x18: {  	s0 =	sld [smem:$0x3F98];
	_ =	swait.ge [sflag:s4], $0x0  }
0x19: {  	s7 =	sld [smem:$0x3F99]  }
0x1a: {  	s8 =	sadd.s32 $0xFFFFE003, lr  }
0x1b: {  	s9 =	sadd.s32 $0xFFFFFEF7, lr;
	s5 =	simm.s32 $0xFFFFFFFF;
	p2 =	slt.u32 s8, $0xFFFFF086  }
0x1c: {  	p1 =	slt.u32 s9, $0xF7A;
	s5 =	simm.s32 @!p2 $0x0  }
0x1d: {  	s5 =	simm.s32 @p1 $0x1;
	p0 =	seq.s32 s7, s2  }
0x1e: {  	s7 =	smul.u32 @!p0 $0xF7A, s2;
	p2 =	seq.s32 @!p0 s5, $0x0  }
0x1f: {  	s9 =	smul.u32 $0xF7A, s1;
	s8 =	simm.s32 @!p0 $0x1BF5;
	p2 =	por !p2, p0  }
0x20: {  	[sflag:s8] =	ssyncset.s32 @!p0 $0xFFFFF086;
	s6 =	sadd.s32 @!p0 s3, s7;
	s7 =	simm.s32 @!p0 $0x108  }
0x21: {  	s3 =	sadd.s32 s3, s9;
	s6 =	sadd.s32 @!p0 $0x88, s6;
	s7 =	simm.s32 @p2 $0x1082  }
0x22: {  	[simem:s7], [sflag:s8] =	dma.local @!p0 [hbm:s6], $0xF7A  }
0x23: {  	s9 =	sor.u32 $0xD0000000, s2;
	s6 =	simm.s32 $0x108;
	_ =	swait.ge @!p0 [sflag:s8], $0x0  }
0x24: {  	s3 =	sadd.s32 $0x88, s3;
	s6 =	simm.s32 @!p1 $0x1082;
	[sflag:s4] =	ssyncset.s32 $0xFFFFF086  }
0x25: {  	[simem:s6], [sflag:s4] =	dma.local [hbm:s3], $0xF7A  }
0x26: {  	[smem:$0x3F99] =	sst s1;
	(tag) =	ssettag s2;
	_ =	strace s9  }
0x27: {  	s1 =	sld [smem:$0x3FA9]  }
0x28: {  	s2 =	sld [smem:$0x3FAA]  }
0x29: {  	s4 =	sld [smem:$0x3FAC]  }
0x2a: {  	p0 =	seq.s32 s5, $0x0;
	s5 =	sld [smem:$0x3FAD]  }
0x2b: {  	s6 =	sld [smem:$0x3FAE]  }
0x2c: {  	s7 =	sld [smem:$0x3FAF]  }
0x2d: {  	s3 =	simm.s32 $0x108;
	s8 =	sld [smem:$0x3FB0]  }
0x2e: {  	s3 =	simm.s32 @!p0 $0x1082;
	s9 =	sld [smem:$0x3FB1]  }
0x2f: {  	lr =	sadd.s32 s0, s3;
	s0 =	sld [smem:$0x3FA8]  }
0x30: {  	s3 =	sld [smem:$0x3FAB]  }
0x31: {  	[smem:$0x3FB4] =	sst s10  }
0x32: {  	s10 =	sld [smem:$0x3FB2];
	_ =	sdelay $0x3  }
0x33: {  	p0 =	seq.s32 s10, $0x1;
	s10 =	sld [smem:$0x3FB4];
	_ =	sdelay $0x3  }
0x34: {  	[smem:$0x3FB4] =	sst s10  }
0x35: {  	s10 =	sld [smem:$0x3FB3];
	_ =	sdelay $0x3  }
0x36: {  	p1 =	seq.s32 s10, $0x1;
	s10 =	sld [smem:$0x3FB4];
	_ =	sdelay $0x3  }
0x37: {  	[smem:$0x3FB4] =	sst s10  }
0x38: {  	s10 =	sld [smem:$0x3FB5]  }
0x39: {  	_ = 	snop;
	(pc) =	sbr.ind lr, $3  }
0x3a: {  	_ = 	snop  }
0x3b: {  	_ = 	snop  }
0x3c: {  	p2 =	seq.s32 s10, $0x1;
	s10 =	sld [smem:$0x3FB4]  }
0x3d: {  	_ =	shalt  }
0x3e: {  	_ =	shalt  }
0x3f: {  	_ =	shalt  }
0x40: {  	_ =	shalt  }
0x41: {  	_ =	shalt  }
0x42: {  	_ =	shalt  }
0x43: {  	_ =	shalt  }
0x44: {  	_ =	shalt  }
0x45: {  	_ =	shalt  }
0x46: {  	_ =	shalt  }
0x47: {  	_ =	shalt  }
0x48: {  	_ =	shalt  }
0x49: {  	_ =	shalt  }
0x4a: {  	_ =	shalt  }
0x4b: {  	_ =	shalt  }
0x4c: {  	_ =	shalt  }
0x4d: {  	_ =	shalt  }
0x4e: {  	_ =	shalt  }
0x4f: {  	_ =	shalt  }
0x50: {  	_ =	shalt  }
0x51: {  	_ =	shalt  }
0x52: {  	_ =	shalt  }
0x53: {  	_ =	shalt  }
0x54: {  	_ =	shalt  }
0x55: {  	_ =	shalt  }
0x56: {  	_ =	shalt  }
0x57: {  	_ =	shalt  }
0x58: {  	_ =	shalt  }
0x59: {  	_ =	shalt  }
0x5a: {  	_ =	shalt  }
0x5b: {  	_ =	shalt  }
0x5c: {  	_ =	shalt  }
0x5d: {  	_ =	shalt  }
0x5e: {  	_ =	shalt  }
0x5f: {  	_ =	shalt  }
0x60: {  	_ =	shalt  }
0x61: {  	_ =	shalt  }
0x62: {  	_ =	shalt  }
0x63: {  	_ =	shalt  }
0x64: {  	_ =	shalt  }
0x65: {  	_ =	shalt  }
0x66: {  	_ =	shalt  }
0x67: {  	_ =	shalt  }
0x68: {  	_ =	shalt  }
0x69: {  	_ =	shalt  }
0x6a: {  	_ =	shalt  }
0x6b: {  	_ =	shalt  }
0x6c: {  	_ =	shalt  }
0x6d: {  	_ =	shalt  }
0x6e: {  	_ =	shalt  }
0x6f: {  	_ =	shalt  }
0x70: {  	_ =	shalt  }
0x71: {  	_ =	shalt  }
0x72: {  	_ =	shalt  }
0x73: {  	_ =	shalt  }
0x74: {  	_ =	shalt  }
0x75: {  	_ =	shalt  }
0x76: {  	_ =	shalt  }
0x77: {  	_ =	shalt  }
0x78: {  	_ =	shalt  }
0x79: {  	_ =	shalt  }
0x7a: {  	_ =	shalt  }
0x7b: {  	_ =	shalt  }
0x7c: {  	_ =	shalt  }
0x7d: {  	_ =	shalt  }
0x7e: {  	_ =	shalt  }
0x7f: {  	_ =	shalt  }
0x80: {  	_ =	shalt  }
0x81: {  	_ =	shalt  }
0x82: {  	_ =	shalt  }
0x83: {  	_ =	shalt  }
0x84: {  	_ =	shalt  }
0x85: {  	_ =	shalt  }
0x86: {  	_ =	shalt  }
0x87: {  	_ =	shalt  }
.Lfunc_end0:
.L_simem_size_0:
called_computation.2_lowered:
.L_overlay_start_0:
0x88: {  	s2 =	sld [smem:$0x3FD9]  }
0x89: {  	s3 =	sld [smem:$0x3FFE];
	_ =	sdelay $0x1  }
0x8a: {  	s1 =	srdreg.scid  }
0x8b: {  	s0 =	sand.u32 $0x1, s1  }
0x8c: {  	s17 =	sshll.u32 s0, $0xA;
	s2 =	sadd.s32 s3, s2  }
0x8d: {  	s2 =	sadd.s32 s2, s17  }
0x8e: {  	[smem:$0x3FC0] =	sst s2  }
0x8f: {  	_ = 	snop  }
0x90: {  	s2 =	sld [smem:$0x3FD0];
	(tm) =	ssettm $0x1  }
0x91: {  	s18 =	sld [smem:$0x3FFB];
	_ =	sdelay $0x3  }
0x92: {  	_ =	strace s18  }
0x93: {  	s3 =	sld [smem:$0x3FFC];
	_ =	sdelay $0x3  }
0x94: {  	_ =	strace s3  }
0x95: {  	s3 =	sld [smem:$0x3FFD];
	_ =	sdelay $0x3  }
0x96: {  	_ =	strace s3  }
0x97: {  	_ =	strace $0x8FFFFFFF  }
0x98: {  	s19 =	sld [smem:$0x3FDB];
	_ =	sdelay $0x1  }
0x99: {  	s4 =	simm.s32 $_scs_section_size  }
0x9a: {  	s5 =	simm.s32 $_size__tile_overlayer_lowered;
	s6 =	simm.s32 $_tile_overlayer_lowered  }
0x9b: {  	s22 =	simm.s32 $0x1BFF;
	s21 =	sshll.u32 s6, $0x1;
	s3 =	sadd.s32 s4, s19  }
0x9c: {  	s7 =	simm.s32 $0x0;
	s20 =	sshll.u32 s5, $0x1;
	s5 =	sadd.s32 s21, s3  }
0x9d: {  	[timem:s7], [sflag:s22] =	dma.local [hbm:s5], s20  }
0x9e: {  	_ =	swait.ge [sflag:s22], s20  }
0x9f: {  	s4 =	ssub.s32 $0x0, s20;
	[sflag:s22] =	ssyncset.done $0x0  }
0xa0: {  	[sflag:s22] =	ssyncadd.s32 s4;
	_ =	sdelay $0x1  }
0xa1: {  	s23 =	simm.s32 $0x1B8B  }
0xa2: {  	_ =	swait.ge [sflag:s23], $0x1  }
0xa3: {  	[sflag:s23] =	ssyncset.done $0x0  }
0xa4: {  	s25 =	simm.s32 $0x1B8E;
	s24 =	sld [smem:$0x3FFE];
	[sflag:s23] =	ssyncadd.s32 $0xFFFFFFFF  }
0xa5: {  	s26 =	simm.s32 $execute0_lowered;
	[smem:$0x3FD2] =	sst s25  }
0xa6: {  	s5 =	sshll.u32 s26, $0x1;
	_ =	strace $0x8000004C;
	[dreg:$0x1] =	wrdreg $0xFFFFFFFF  }
0xa7: {  	s28 =	simm.s32 $_size_execute0_lowered;
	s3 =	sadd.s32 s3, s5;
	[dreg:$0x0] =	wrdreg $0x0  }
0xa8: {  	s5 =	sshll.u32 s28, $0x1;
	[dreg:$0x2] =	wrdreg s3  }
0xa9: {  	[dreg:$0x3] =	wrdreg s5  }
0xaa: {  	[dreg:$0x4] =	wrdreg $0xC0  }
0xab: {  	_ =	task [dreg:s7], $0x5FFFF  }
0xac: {  	[dreg:$0x1] =	wrdreg $0xFFFFFFFF  }
0xad: {  	[dreg:$0x0] =	wrdreg $0x60  }
0xae: {  	[dreg:$0x2] =	wrdreg s24  }
0xaf: {  	[dreg:$0x3] =	wrdreg s2  }
0xb0: {  	[dreg:$0x4] =	wrdreg $0x90000  }
0xb1: {  	[dreg:$0x5] =	wrdreg $0x9  }
0xb2: {  	_ =	task.clear_ibuf [dreg:s7], $0x6FFFF;
	_ =	strace $0x9000004C  }
0xb3: {  	s29 =	simm.s32 $0x9;
	_ =	strace $0x8000004E  }
0xb4: {  	_ =	swait.ge [sflag:s29], $0x1  }
0xb5: {  	[sflag:s29] =	ssyncadd.s32 $0xFFFFFFFF  }
0xb6: {  	_ =	strace $0x9000004E  }
0xb7: {  	_ =	sfence  }
0xb8: {  	s30 =	sld [smem:$0x0];
	_ =	sdelay $0x2  }
0xb9: {  	s31 =	sshll.u32 s1, $0xD;
	s1 =	sshrl.u32 s1, $0x2  }
0xba: {  	s3 =	sand.u32 $0x4000, s31;
	s1 =	sadd.s32 s1, s30  }
0xbb: {  	s0 =	sor.u32 s3, s0;
	s1 =	sshll.u32 s1, $0x11  }
0xbc: {  	s0 =	sor.u32 s1, s0  }
0xbd: {  	s0 =	sadd.s32 $0x8F2B, s0  }
0xbe: {  	[sflag:s0] =	ssyncadd.remote.s32 $0x1  }
0xbf: {  	_ =	sfence.sel $0xFFFF  }
0xc0: {  	[dreg:$0x0] =	wrdreg $0xFFFFFFFF;
	(pc) =	sbr.abs _section_cstart, $3  }
0xc1: {  	[dreg:$0x1] =	wrdreg $0xFFFFFFFF  }
0xc2: {  	_ =	task.clear_ibuf [dreg:s7], $0x2FFFF;
	_ =	strace $0x9FFFFFFF  }
0xc3: {  	(tm) =	ssettm $0x7FFFFFFF  }
tec
execute0_lowered:
.L_overlay_start_1:
0x0: {  	(tag) =	ssettag $0x1  }
0x1: {  	s5 =	rddreg [dreg:$0x0]  }
0x2: {  	s6 =	rddreg [dreg:$0x1]  }
0x3: {  	s1 =	rddreg [dreg:$0x2];
	s2 =	srdreg.scid  }
0x4: {  	s0 =	rddreg [dreg:$0x3];
	s3 =	simm.s32 $0x0;
	s15 =	simm.s32 $0x2800  }
0x5: {  	s16 =	simm.s32 $0x5000;
	s17 =	simm.s32 $0x80;
	s18 =	simm.s32 $0x1  }
0x6: {  	s21 =	simm.s32 $0x0;
	s7 =	sand.u32 $0x1, s2;
	s2 =	stileid.u32  }
0x7: {  	[smem:$0x7FF] =	sst s3;
	s4 =	sshll.u32 s7, $0x4;
	s8 =	smul.u32 $0x140000, s7  }
0x8: {  	s10 =	smul.u32 $0x14000, s2;
	_ =	strace $0x8000004D;
	s7 =	ssub.s32 $0x2, s7  }
0x9: {  	s30 =	smul.u32 $0x50000, s2;
	s19 =	sshll.u32 s2, $0x6;
	s9 =	sor.u32 s2, s4  }
0xa: {  	s4 =	sadd.s32 $0xD600, s5;
	s12 =	sshrl.u32 s7, $0x1;
	s19 =	sor.u32 $0x1C02, s19  }
0xb: {  	s9 =	smul.u32 $0x500, s9;
	s8 =	sadd.s32 s10, s8;
	s31 =	sshrl.u32 s30, $0x2  }
0xc: {  	s14 =	ssub.s32 s7, s12;
	s8 =	sshrl.u32 s8, $0x3;
	s7 =	sadd.s32 s31, s1  }
0xd: {  	s11 =	sadd.s32 s9, s5;
	s13 =	sadd.s32 s8, s5;
	s6 =	sadd.s32 s6, s9  }
0xe: {  	s8 =	sadd.s32 $0x4000, s7;
	s9 =	sadd.s32 $0x8000, s7;
	s10 =	sadd.s32 $0xC000, s7  }
0xf: {  	s20 =	sshrl.u32 s7, $0x3;
	s5 =	sadd.s32 $0x3600, s11;
	s11 =	sadd.s32 $0x10000, s7  }
0x10: {  	v0 =	vimm.f32 $0.0e+00;
	s12 =	sadd.s32 $0x35600, s13;
	s13 =	smax.u32 s14, $0x1;
	s14 =	simm.s32 $0x2  }
.LBB2_1:
0x11: {  	[tilespmem:s3], [sflag:$0x2] =	stream.linear.gather [hbm4b:s5+s3], $0x2780, $0x38;
	[tilespmem:$0x1D000] =	vst v63  }
0x12: {  	_ =	swait.ge [sflag:s14], $0x2780  }
0x13: {  	[sflag:s14] =	ssyncset.done $0x0  }
0x14: {  	[sflag:s14] =	ssyncadd.s32 $0xFFFFD880  }
0x15: {  	[tilespmem:s15], [sflag:$0x2] =	stream.linear.gather [hbm4b:s6+s3], $0x2780, $0x38;
	[tilespmem:$0x1D000] =	vst v63  }
0x16: {  	_ =	swait.ge [sflag:s14], $0x2780  }
0x17: {  	[sflag:s14] =	ssyncset.done $0x0  }
0x18: {  	s22 =	simm.s32 $0x0;
	s23 =	simm.s32 $0x200;
	[sflag:s14] =	ssyncadd.s32 $0xFFFFD880  }
.LBB2_2:
0x19: {  	p0 =	sne.s32 s23, $0xFE00;
	[tilespmem:s22+$0x5070] =	vst v0  }
0x1a: {  	[tilespmem:s22+$0x5000] =	vst v0  }
0x1b: {  	[tilespmem:s22+$0x5010] =	vst v0  }
.Ltmp0:
0x1c: {  	[tilespmem:s22+$0x5020] =	vst v0;
	(pc) =	sbr.rel @p0 .LBB2_2-.Ltmp0, $4  }
0x1d: {  	[tilespmem:s22+$0x5030] =	vst v0  }
0x1e: {  	[tilespmem:s22+$0x5040] =	vst v0  }
0x1f: {  	[tilespmem:s22+$0x5050] =	vst v0  }
0x20: {  	[tilespmem:s22+$0x5060] =	vst v0;
	s22 =	sshra.s32 s23, $0x2;
	s23 =	sadd.s32 $0x200, s23  }
0x21: {  	[tilespmem:s22+$0x5070] =	vst v0  }
0x22: {  	[tilespmem:s22+$0x5000] =	vst v0  }
0x23: {  	[tilespmem:s22+$0x5010] =	vst v0  }
0x24: {  	[tilespmem:s22+$0x5020] =	vst v0  }
0x25: {  	[tilespmem:s22+$0x5030] =	vst v0  }
0x26: {  	[tilespmem:s22+$0x5040] =	vst v0  }
0x27: {  	[tilespmem:s22+$0x5050] =	vst v0  }
0x28: {  	[tilespmem:s22+$0x5060] =	vst v0  }
0x29: {  	[spmem:s7] =	stream.linear.scatter [tilespmem:s16], [sflag:$0x2], $0x4000, $0x38;
	[tilespmem:$0x1D000] =	vst v63  }
0x2a: {  	_ =	swait.ge [sflag:s14], $0x4000  }
0x2b: {  	[sflag:s14] =	ssyncset.done $0x0  }
0x2c: {  	[sflag:s14] =	ssyncadd.s32 $0xFFFFC000  }
0x2d: {  	[spmem:s8] =	stream.linear.scatter [tilespmem:s16], [sflag:$0x2], $0x4000, $0x38;
	[tilespmem:$0x1D000] =	vst v63  }
0x2e: {  	_ =	swait.ge [sflag:s14], $0x4000  }
0x2f: {  	[sflag:s14] =	ssyncset.done $0x0  }
0x30: {  	[sflag:s14] =	ssyncadd.s32 $0xFFFFC000  }
0x31: {  	[spmem:s9] =	stream.linear.scatter [tilespmem:s16], [sflag:$0x2], $0x4000, $0x38;
	[tilespmem:$0x1D000] =	vst v63  }
0x32: {  	_ =	swait.ge [sflag:s14], $0x4000  }
0x33: {  	[sflag:s14] =	ssyncset.done $0x0  }
0x34: {  	[sflag:s14] =	ssyncadd.s32 $0xFFFFC000  }
0x35: {  	[spmem:s10] =	stream.linear.scatter [tilespmem:s16], [sflag:$0x2], $0x4000, $0x38;
	[tilespmem:$0x1D000] =	vst v63  }
0x36: {  	_ =	swait.ge [sflag:s14], $0x4000  }
0x37: {  	[sflag:s14] =	ssyncset.done $0x0  }
0x38: {  	[sflag:s14] =	ssyncadd.s32 $0xFFFFC000  }
0x39: {  	[spmem:s11] =	stream.linear.scatter [tilespmem:s16], [sflag:$0x2], $0x4000, $0x38;
	[tilespmem:$0x1D000] =	vst v63  }
0x3a: {  	_ =	swait.ge [sflag:s14], $0x4000  }
0x3b: {  	[sflag:s14] =	ssyncset.done $0x0  }
0x3c: {  	[sflag:s14] =	ssyncadd.s32 $0xFFFFC000  }
0x3d: {  	s30 =	simm.s32 $0x0;
	[bflag:$0x0] =	sbarrier.arrive $0xFFFF  }
0x3e: {  	[tilespmem:s16], [sflag:$0x1] =	stream.indirect.gather [hbm4b:s4+s17], $0x80, s30, s17, $0xb8;
	[tilespmem:$0x1D000] =	vst v63  }
0x3f: {  	_ =	swait.ge [sflag:s18], $0x4000  }
0x40: {  	[sflag:s18] =	ssyncset.done $0x0  }
0x41: {  	s31 =	simm.s32 $0x2800;
	[sflag:s18] =	ssyncadd.s32 $0xFFFFC000  }
0x42: {  	[spmem:s1] =	stream.indirect.scatter.add.f32 [tilespmem:s16], [sflag:$0x2], $0x80, s31, s17, $0xb8;
	[tilespmem:$0x1D000] =	vst v63  }
0x43: {  	_ =	swait.ge [sflag:s14], $0x4000  }
0x44: {  	s22 =	simm.s32 $0x200;
	s23 =	simm.s32 $0x400;
	[sflag:s14] =	ssyncset.done $0x0  }
.LBB2_4:
0x45: {  	s24 =	sshra.s32 s22, $0x2  }
0x46: {  	[sflag:s14] =	ssyncadd.s32 $0xFFFFC000;
	s22 =	smov.u32 s23;
	s25 =	sadd.s32 $0x200, s23  }
0x47: {  	[tilespmem:s16], [sflag:$0x1] =	stream.indirect.gather [hbm4b:s4+s17], $0x80, s24, s17, $0xb8;
	[tilespmem:$0x1D000] =	vst v63  }
0x48: {  	p0 =	sne.s32 s23, $0x9C00;
	_ =	swait.ge [sflag:s18], $0x4000  }
.Ltmp1:
0x49: {  	[sflag:s18] =	ssyncset.done $0x0;
	(pc) =	sbr.rel @p0 .LBB2_4-.Ltmp1, $4  }
0x4a: {  	s23 =	sadd.s32 $0x2800, s24;
	[sflag:s18] =	ssyncadd.s32 $0xFFFFC000  }
0x4b: {  	[spmem:s1] =	stream.indirect.scatter.add.f32 [tilespmem:s16], [sflag:$0x2], $0x80, s23, s17, $0xb8;
	[tilespmem:$0x1D000] =	vst v63  }
0x4c: {  	_ =	swait.ge [sflag:s14], $0x4000  }
0x4d: {  	s23 =	smov.u32 s25;
	[sflag:s14] =	ssyncset.done $0x0  }
0x4e: {  	s22 =	sshra.s32 s22, $0x2;
	[sflag:s14] =	ssyncadd.s32 $0xFFFFC000  }
0x4f: {  	[tilespmem:s16], [sflag:$0x1] =	stream.indirect.gather [hbm4b:s4+s17], $0x80, s22, s17, $0xb8;
	[tilespmem:$0x1D000] =	vst v63  }
0x50: {  	_ =	swait.ge [sflag:s18], $0x4000  }
0x51: {  	[sflag:s18] =	ssyncset.done $0x0  }
0x52: {  	s22 =	sadd.s32 $0x2800, s22;
	[sflag:s18] =	ssyncadd.s32 $0xFFFFC000  }
0x53: {  	[spmem:s1] =	stream.indirect.scatter.add.f32 [tilespmem:s16], [sflag:$0x2], $0x80, s22, s17, $0xb8;
	[tilespmem:$0x1D000] =	vst v63  }
0x54: {  	_ =	swait.ge [sflag:s14], $0x4000  }
0x55: {  	s21 =	sadd.s32 $0x1, s21;
	[sflag:s14] =	ssyncset.done $0x0  }
0x56: {  	p0 =	sne.s32 s21, s13;
	[sflag:s14] =	ssyncadd.s32 $0xFFFFC000  }
.Ltmp2:
0x57: {  	[bflag:$0x0] =	sbarrier.arrive $0xFFFF;
	(pc) =	sbr.rel @p0 .LBB2_1-.Ltmp2, $4  }
0x58: {  	[hbm:s12], [sflag:s19] =	dma.local [spmem:s20], $0x2800  }
0x59: {  	_ =	swait.ge [sflag:s14], $0x2800  }
0x5a: {  	[sflag:s14] =	ssyncset.done $0x0  }
0x5b: {  	[sflag:s14] =	ssyncadd.s32 $0xFFFFD800  }
0x5c: {  	_ =	sfence.sel $0x180000  }
0x5d: {  	[bflag:$0x0] =	sbarrier.arrive $0xFFFF  }
0x5e: {  	p0 =	sne.s32 s2, $0x0;
	_ =	strace $0x9000004D  }
0x5f: {  	s0 =	sadd.s32 @!p0 $0x100000, s0;
	[bflag:$0x2] =	sbarrier.arrive $0xFFFF  }
0x60: {  	[sflag:s0] =	ssyncadd.tile.s32 @!p0 $0x1;
	_ =	shalt  }
.Lfunc_end2:
_tile_overlayer_lowered:
.L_overlay_start_2:
0x61: {  	(tag) =	ssettag $0x2  }
0x62: {  	s0 =	rddreg [dreg:$0x0];
	s2 =	stileid.u32  }
0x63: {  	s1 =	rddreg [dreg:$0x1];
	p0 =	sne.s32 s2, $0x0  }
0x64: {  	s3 =	rddreg [dreg:$0x2];
	[bflag:$0x3] =	sbarrier.arrive $0xFFFF;
	s2 =	simm.s32 @!p0 $0x1C02  }
0x65: {  	[timem:s3], [sflag:s2] =	dma.local @!p0 [hbm:s0], s1  }
0x66: {  	s0 =	simm.s32 @!p0 $0x2  }
0x67: {  	_ =	swait.ge @!p0 [sflag:s0], s1  }
0x68: {  	s1 =	ssub.s32 @!p0 $0x0, s1;
	[sflag:s0] =	ssyncset.done @!p0 $0x0  }
0x69: {  	[sflag:s0] =	ssyncadd.s32 @!p0 s1  }
0x6a: {  	[bflag:$0x3] =	sbarrier.arrive $0xFFFF  }
0x6b: {  	_ =	shalt  }

// kernel: kernel.9.cloned.1.call-start
scs
__scs_entry_jumppad:
0x0: {  	(pc) =	sbr.rel $0x88, $3  }
0x1: {  	(tag) =	ssettag $0x0;
	lr =	simm.s32 $0x1  }
0x2: {  	[smem:$0x3F99] =	sst lr;
	_ =	strace $0xD0000000  }
0x3: {  	_ = 	snop  }
0x4: {  	_ = 	snop  }
0x5: {  	_ = 	snop  }
0x6: {  	_ = 	snop  }
0x7: {  	_ = 	snop  }
__scs_overlays_trampoline_lowered:
0x8: {  	[smem:$0x3FA8] =	sst s0  }
0x9: {  	[smem:$0x3FA9] =	sst s1  }
0xa: {  	[smem:$0x3FAA] =	sst s2  }
0xb: {  	[smem:$0x3FAB] =	sst s3  }
0xc: {  	[smem:$0x3FAC] =	sst s4  }
0xd: {  	[smem:$0x3FAD] =	sst s5  }
0xe: {  	[smem:$0x3FAE] =	sst s6  }
0xf: {  	[smem:$0x3FAF] =	sst s7  }
0x10: {  	[smem:$0x3FB0] =	sst s8  }
0x11: {  	[smem:$0x3FB1] =	sst s9;
	s0 =	simm.s32 @!p0 $0x0  }
0x12: {  	s1 =	sld [smem:$0x3F97];
	s0 =	simm.s32 @p0 $0x1  }
0x13: {  	[smem:$0x3FB2] =	sst s0;
	s0 =	simm.s32 @!p1 $0x0  }
0x14: {  	s2 =	sld [smem:$0x3F96];
	s0 =	simm.s32 @p1 $0x1  }
0x15: {  	[smem:$0x3FB3] =	sst s0;
	s0 =	simm.s32 @!p2 $0x0  }
0x16: {  	s3 =	sld [smem:$0x3FDB];
	s0 =	simm.s32 @p2 $0x1  }
0x17: {  	s4 =	simm.s32 $0x1BF5;
	[smem:$0x3FB5] =	sst s0  }
0x18: {  	s0 =	sld [smem:$0x3F98];
	_ =	swait.ge [sflag:s4], $0x0  }
0x19: {  	s7 =	sld [smem:$0x3F99]  }
0x1a: {  	s8 =	sadd.s32 $0xFFFFE003, lr  }
0x1b: {  	s9 =	sadd.s32 $0xFFFFFEF7, lr;
	s5 =	simm.s32 $0xFFFFFFFF;
	p2 =	slt.u32 s8, $0xFFFFF086  }
0x1c: {  	p1 =	slt.u32 s9, $0xF7A;
	s5 =	simm.s32 @!p2 $0x0  }
0x1d: {  	s5 =	simm.s32 @p1 $0x1;
	p0 =	seq.s32 s7, s2  }
0x1e: {  	s7 =	smul.u32 @!p0 $0xF7A, s2;
	p2 =	seq.s32 @!p0 s5, $0x0  }
0x1f: {  	s9 =	smul.u32 $0xF7A, s1;
	s8 =	simm.s32 @!p0 $0x1BF5;
	p2 =	por !p2, p0  }
0x20: {  	[sflag:s8] =	ssyncset.s32 @!p0 $0xFFFFF086;
	s6 =	sadd.s32 @!p0 s3, s7;
	s7 =	simm.s32 @!p0 $0x108  }
0x21: {  	s3 =	sadd.s32 s3, s9;
	s6 =	sadd.s32 @!p0 $0x88, s6;
	s7 =	simm.s32 @p2 $0x1082  }
0x22: {  	[simem:s7], [sflag:s8] =	dma.local @!p0 [hbm:s6], $0xF7A  }
0x23: {  	s9 =	sor.u32 $0xD0000000, s2;
	s6 =	simm.s32 $0x108;
	_ =	swait.ge @!p0 [sflag:s8], $0x0  }
0x24: {  	s3 =	sadd.s32 $0x88, s3;
	s6 =	simm.s32 @!p1 $0x1082;
	[sflag:s4] =	ssyncset.s32 $0xFFFFF086  }
0x25: {  	[simem:s6], [sflag:s4] =	dma.local [hbm:s3], $0xF7A  }
0x26: {  	[smem:$0x3F99] =	sst s1;
	(tag) =	ssettag s2;
	_ =	strace s9  }
0x27: {  	s1 =	sld [smem:$0x3FA9]  }
0x28: {  	s2 =	sld [smem:$0x3FAA]  }
0x29: {  	s4 =	sld [smem:$0x3FAC]  }
0x2a: {  	p0 =	seq.s32 s5, $0x0;
	s5 =	sld [smem:$0x3FAD]  }
0x2b: {  	s6 =	sld [smem:$0x3FAE]  }
0x2c: {  	s7 =	sld [smem:$0x3FAF]  }
0x2d: {  	s3 =	simm.s32 $0x108;
	s8 =	sld [smem:$0x3FB0]  }
0x2e: {  	s3 =	simm.s32 @!p0 $0x1082;
	s9 =	sld [smem:$0x3FB1]  }
0x2f: {  	lr =	sadd.s32 s0, s3;
	s0 =	sld [smem:$0x3FA8]  }
0x30: {  	s3 =	sld [smem:$0x3FAB]  }
0x31: {  	[smem:$0x3FB4] =	sst s10  }
0x32: {  	s10 =	sld [smem:$0x3FB2];
	_ =	sdelay $0x3  }
0x33: {  	p0 =	seq.s32 s10, $0x1;
	s10 =	sld [smem:$0x3FB4];
	_ =	sdelay $0x3  }
0x34: {  	[smem:$0x3FB4] =	sst s10  }
0x35: {  	s10 =	sld [smem:$0x3FB3];
	_ =	sdelay $0x3  }
0x36: {  	p1 =	seq.s32 s10, $0x1;
	s10 =	sld [smem:$0x3FB4];
	_ =	sdelay $0x3  }
0x37: {  	[smem:$0x3FB4] =	sst s10  }
0x38: {  	s10 =	sld [smem:$0x3FB5]  }
0x39: {  	_ = 	snop;
	(pc) =	sbr.ind lr, $3  }
0x3a: {  	_ = 	snop  }
0x3b: {  	_ = 	snop  }
0x3c: {  	p2 =	seq.s32 s10, $0x1;
	s10 =	sld [smem:$0x3FB4]  }
0x3d: {  	_ =	shalt  }
0x3e: {  	_ =	shalt  }
0x3f: {  	_ =	shalt  }
0x40: {  	_ =	shalt  }
0x41: {  	_ =	shalt  }
0x42: {  	_ =	shalt  }
0x43: {  	_ =	shalt  }
0x44: {  	_ =	shalt  }
0x45: {  	_ =	shalt  }
0x46: {  	_ =	shalt  }
0x47: {  	_ =	shalt  }
0x48: {  	_ =	shalt  }
0x49: {  	_ =	shalt  }
0x4a: {  	_ =	shalt  }
0x4b: {  	_ =	shalt  }
0x4c: {  	_ =	shalt  }
0x4d: {  	_ =	shalt  }
0x4e: {  	_ =	shalt  }
0x4f: {  	_ =	shalt  }
0x50: {  	_ =	shalt  }
0x51: {  	_ =	shalt  }
0x52: {  	_ =	shalt  }
0x53: {  	_ =	shalt  }
0x54: {  	_ =	shalt  }
0x55: {  	_ =	shalt  }
0x56: {  	_ =	shalt  }
0x57: {  	_ =	shalt  }
0x58: {  	_ =	shalt  }
0x59: {  	_ =	shalt  }
0x5a: {  	_ =	shalt  }
0x5b: {  	_ =	shalt  }
0x5c: {  	_ =	shalt  }
0x5d: {  	_ =	shalt  }
0x5e: {  	_ =	shalt  }
0x5f: {  	_ =	shalt  }
0x60: {  	_ =	shalt  }
0x61: {  	_ =	shalt  }
0x62: {  	_ =	shalt  }
0x63: {  	_ =	shalt  }
0x64: {  	_ =	shalt  }
0x65: {  	_ =	shalt  }
0x66: {  	_ =	shalt  }
0x67: {  	_ =	shalt  }
0x68: {  	_ =	shalt  }
0x69: {  	_ =	shalt  }
0x6a: {  	_ =	shalt  }
0x6b: {  	_ =	shalt  }
0x6c: {  	_ =	shalt  }
0x6d: {  	_ =	shalt  }
0x6e: {  	_ =	shalt  }
0x6f: {  	_ =	shalt  }
0x70: {  	_ =	shalt  }
0x71: {  	_ =	shalt  }
0x72: {  	_ =	shalt  }
0x73: {  	_ =	shalt  }
0x74: {  	_ =	shalt  }
0x75: {  	_ =	shalt  }
0x76: {  	_ =	shalt  }
0x77: {  	_ =	shalt  }
0x78: {  	_ =	shalt  }
0x79: {  	_ =	shalt  }
0x7a: {  	_ =	shalt  }
0x7b: {  	_ =	shalt  }
0x7c: {  	_ =	shalt  }
0x7d: {  	_ =	shalt  }
0x7e: {  	_ =	shalt  }
0x7f: {  	_ =	shalt  }
0x80: {  	_ =	shalt  }
0x81: {  	_ =	shalt  }
0x82: {  	_ =	shalt  }
0x83: {  	_ =	shalt  }
0x84: {  	_ =	shalt  }
0x85: {  	_ =	shalt  }
0x86: {  	_ =	shalt  }
0x87: {  	_ =	shalt  }
.Lfunc_end0:
.L_simem_size_0:
called_computation_lowered:
.L_overlay_start_0:
0x88: {  	s2 =	sld [smem:$0x3FD9]  }
0x89: {  	s3 =	sld [smem:$0x3FFE];
	_ =	sdelay $0x1  }
0x8a: {  	s1 =	srdreg.scid  }
0x8b: {  	s0 =	sand.u32 $0x1, s1  }
0x8c: {  	s17 =	sshll.u32 s0, $0xA;
	s2 =	sadd.s32 s3, s2  }
0x8d: {  	s2 =	sadd.s32 s2, s17  }
0x8e: {  	[smem:$0x3FC0] =	sst s2  }
0x8f: {  	_ = 	snop  }
0x90: {  	s2 =	sld [smem:$0x3FD0];
	(tm) =	ssettm $0x1  }
0x91: {  	s18 =	sld [smem:$0x3FFB];
	_ =	sdelay $0x3  }
0x92: {  	_ =	strace s18  }
0x93: {  	s3 =	sld [smem:$0x3FFC];
	_ =	sdelay $0x3  }
0x94: {  	_ =	strace s3  }
0x95: {  	s3 =	sld [smem:$0x3FFD];
	_ =	sdelay $0x3  }
0x96: {  	_ =	strace s3  }
0x97: {  	_ =	strace $0x8FFFFFFF  }
0x98: {  	s19 =	sld [smem:$0x3FDB];
	_ =	sdelay $0x1  }
0x99: {  	s4 =	simm.s32 $_scs_section_size  }
0x9a: {  	s5 =	simm.s32 $_size__tile_overlayer_lowered;
	s6 =	simm.s32 $_tile_overlayer_lowered  }
0x9b: {  	s22 =	simm.s32 $0x1BFF;
	s21 =	sshll.u32 s6, $0x1;
	s3 =	sadd.s32 s4, s19  }
0x9c: {  	s7 =	simm.s32 $0x0;
	s20 =	sshll.u32 s5, $0x1;
	s5 =	sadd.s32 s21, s3  }
0x9d: {  	[timem:s7], [sflag:s22] =	dma.local [hbm:s5], s20  }
0x9e: {  	_ =	swait.ge [sflag:s22], s20  }
0x9f: {  	s4 =	ssub.s32 $0x0, s20;
	[sflag:s22] =	ssyncset.done $0x0  }
0xa0: {  	[sflag:s22] =	ssyncadd.s32 s4;
	_ =	sdelay $0x1  }
0xa1: {  	s23 =	simm.s32 $0x1B8B  }
0xa2: {  	_ =	swait.ge [sflag:s23], $0x1  }
0xa3: {  	[sflag:s23] =	ssyncset.done $0x0  }
0xa4: {  	s25 =	simm.s32 $0x1B8E;
	s24 =	sld [smem:$0x3FFE];
	[sflag:s23] =	ssyncadd.s32 $0xFFFFFFFF  }
0xa5: {  	s26 =	simm.s32 $execute0_lowered;
	[smem:$0x3FD2] =	sst s25  }
0xa6: {  	s5 =	sshll.u32 s26, $0x1;
	_ =	strace $0x80000046;
	[dreg:$0x1] =	wrdreg $0xFFFFFFFF  }
0xa7: {  	s28 =	simm.s32 $_size_execute0_lowered;
	s3 =	sadd.s32 s3, s5;
	[dreg:$0x0] =	wrdreg $0x0  }
0xa8: {  	s5 =	sshll.u32 s28, $0x1;
	[dreg:$0x2] =	wrdreg s3  }
0xa9: {  	[dreg:$0x3] =	wrdreg s5  }
0xaa: {  	[dreg:$0x4] =	wrdreg $0xC0  }
0xab: {  	_ =	task [dreg:s7], $0x5FFFF  }
0xac: {  	[dreg:$0x1] =	wrdreg $0xFFFFFFFF  }
0xad: {  	[dreg:$0x0] =	wrdreg $0x60  }
0xae: {  	[dreg:$0x2] =	wrdreg s2  }
0xaf: {  	[dreg:$0x3] =	wrdreg s24  }
0xb0: {  	[dreg:$0x4] =	wrdreg $0x28800  }
0xb1: {  	[dreg:$0x5] =	wrdreg $0x9  }
0xb2: {  	_ =	task.clear_ibuf [dreg:s7], $0x6FFFF;
	_ =	strace $0x90000046  }
0xb3: {  	s29 =	simm.s32 $0x9;
	_ =	strace $0x80000048  }
0xb4: {  	_ =	swait.ge [sflag:s29], $0x1  }
0xb5: {  	[sflag:s29] =	ssyncadd.s32 $0xFFFFFFFF  }
0xb6: {  	_ =	strace $0x90000048  }
0xb7: {  	_ =	sfence  }
0xb8: {  	s30 =	sld [smem:$0x0];
	_ =	sdelay $0x2  }
0xb9: {  	s31 =	sshll.u32 s1, $0xD;
	s1 =	sshrl.u32 s1, $0x2  }
0xba: {  	s3 =	sand.u32 $0x4000, s31;
	s1 =	sadd.s32 s1, s30  }
0xbb: {  	s0 =	sor.u32 s3, s0;
	s1 =	sshll.u32 s1, $0x11  }
0xbc: {  	s0 =	sor.u32 s1, s0  }
0xbd: {  	s0 =	sadd.s32 $0x8F2B, s0  }
0xbe: {  	[sflag:s0] =	ssyncadd.remote.s32 $0x1  }
0xbf: {  	_ =	sfence.sel $0xFFFF  }
0xc0: {  	[dreg:$0x0] =	wrdreg $0xFFFFFFFF;
	(pc) =	sbr.abs _section_cstart, $3  }
0xc1: {  	[dreg:$0x1] =	wrdreg $0xFFFFFFFF  }
0xc2: {  	_ =	task.clear_ibuf [dreg:s7], $0x2FFFF;
	_ =	strace $0x9FFFFFFF  }
0xc3: {  	(tm) =	ssettm $0x7FFFFFFF  }
tec
execute0_lowered:
.L_overlay_start_1:
0x0: {  	(tag) =	ssettag $0x1  }
0x1: {  	s4 =	rddreg [dreg:$0x0]  }
0x2: {  	s5 =	rddreg [dreg:$0x1]  }
0x3: {  	s2 =	rddreg [dreg:$0x2]  }
0x4: {  	s0 =	rddreg [dreg:$0x3]  }
0x5: {  	s3 =	simm.s32 $0x0;
	s6 =	srdreg.scid;
	s1 =	stileid.u32  }
0x6: {  	s12 =	simm.s32 $0x1;
	s13 =	simm.s32 $0x2800;
	s14 =	simm.s32 $0x80  }
0x7: {  	s17 =	simm.s32 $0x20;
	s18 =	simm.s32 $0x10;
	s19 =	simm.s32 $0x0  }
0x8: {  	[smem:$0x7FF] =	sst s3;
	s6 =	sand.u32 $0x1, s6;
	s7 =	smul.u32 $0x500, s1  }
0x9: {  	s29 =	smul.u32 $0xA00, s1;
	s15 =	sshll.u32 s1, $0x6;
	_ =	strace $0x80000047  }
0xa: {  	s8 =	sshll.u32 s6, $0x7;
	s9 =	sshll.u32 s6, $0x4;
	s6 =	ssub.s32 $0x2, s6  }
0xb: {  	s15 =	sor.u32 $0x1C01, s15;
	s7 =	sor.u32 s8, s7;
	s28 =	sor.u32 s1, s9  }
0xc: {  	s30 =	sshrl.u32 s6, $0x1;
	s7 =	sshrl.u32 s7, $0x3;
	s8 =	smul.u32 $0x500, s28  }
0xd: {  	s31 =	sshrl.u32 s29, $0x2;
	s11 =	ssub.s32 s6, s30;
	s10 =	sadd.s32 s7, s5  }
0xe: {  	s5 =	sadd.s32 s31, s2;
	s11 =	smax.u32 s11, $0x1;
	s4 =	sadd.s32 s4, s8  }
0xf: {  	s6 =	sadd.s32 $0x80, s5;
	s7 =	sadd.s32 $0x100, s5;
	s8 =	sadd.s32 $0x180, s5  }
0x10: {  	v0 =	vimm.f32 $0.0e+00;
	v1 =	vimm.f32 $1.000000000e+00;
	s9 =	sadd.s32 $0x200, s5;
	s10 =	sadd.s32 $0x2C00, s10;
	s16 =	sshrl.u32 s5, $0x3  }
.LBB2_1:
0x11: {  	[tilespmem:s3], [sflag:$0x1] =	stream.linear.gather [hbm4b:s4+s3], $0x2780, $0x38;
	[tilespmem:$0x2B00] =	vst v63  }
0x12: {  	_ =	swait.ge [sflag:s12], $0x2780  }
0x13: {  	[sflag:s12] =	ssyncset.done $0x0  }
0x14: {  	[sflag:s12] =	ssyncadd.s32 $0xFFFFD880  }
0x15: {  	[tilespmem:$0x2800] =	vst v0  }
0x16: {  	[tilespmem:$0x2810] =	vst v0  }
0x17: {  	[tilespmem:$0x2820] =	vst v0  }
0x18: {  	[tilespmem:$0x2830] =	vst v0  }
0x19: {  	[tilespmem:$0x2840] =	vst v0  }
0x1a: {  	[tilespmem:$0x2850] =	vst v0  }
0x1b: {  	[tilespmem:$0x2860] =	vst v0  }
0x1c: {  	[tilespmem:$0x2870] =	vst v0  }
0x1d: {  	[spmem:s5] =	stream.linear.scatter [tilespmem:s13], [sflag:$0x1], $0x80, $0x38;
	[tilespmem:$0x2B00] =	vst v63  }
0x1e: {  	_ =	swait.ge [sflag:s12], $0x80  }
0x1f: {  	[sflag:s12] =	ssyncset.done $0x0  }
0x20: {  	[sflag:s12] =	ssyncadd.s32 $0xFFFFFF80  }
0x21: {  	[spmem:s6] =	stream.linear.scatter [tilespmem:s13], [sflag:$0x1], $0x80, $0x38;
	[tilespmem:$0x2B00] =	vst v63  }
0x22: {  	_ =	swait.ge [sflag:s12], $0x80  }
0x23: {  	[sflag:s12] =	ssyncset.done $0x0  }
0x24: {  	[sflag:s12] =	ssyncadd.s32 $0xFFFFFF80  }
0x25: {  	[spmem:s7] =	stream.linear.scatter [tilespmem:s13], [sflag:$0x1], $0x80, $0x38;
	[tilespmem:$0x2B00] =	vst v63  }
0x26: {  	_ =	swait.ge [sflag:s12], $0x80  }
0x27: {  	[sflag:s12] =	ssyncset.done $0x0  }
0x28: {  	[sflag:s12] =	ssyncadd.s32 $0xFFFFFF80  }
0x29: {  	[spmem:s8] =	stream.linear.scatter [tilespmem:s13], [sflag:$0x1], $0x80, $0x38;
	[tilespmem:$0x2B00] =	vst v63  }
0x2a: {  	_ =	swait.ge [sflag:s12], $0x80  }
0x2b: {  	[sflag:s12] =	ssyncset.done $0x0  }
0x2c: {  	[sflag:s12] =	ssyncadd.s32 $0xFFFFFF80  }
0x2d: {  	[spmem:s9] =	stream.linear.scatter [tilespmem:s13], [sflag:$0x1], $0x80, $0x38;
	[tilespmem:$0x2B00] =	vst v63  }
0x2e: {  	_ =	swait.ge [sflag:s12], $0x80  }
0x2f: {  	[sflag:s12] =	ssyncset.done $0x0  }
0x30: {  	[sflag:s12] =	ssyncadd.s32 $0xFFFFFF80  }
0x31: {  	[tilespmem:$0x2800] =	vst v1  }
0x32: {  	[tilespmem:$0x2810] =	vst v1  }
0x33: {  	[tilespmem:$0x2820] =	vst v1  }
0x34: {  	[tilespmem:$0x2830] =	vst v1  }
0x35: {  	[tilespmem:$0x2840] =	vst v1  }
0x36: {  	[tilespmem:$0x2850] =	vst v1  }
0x37: {  	[tilespmem:$0x2860] =	vst v1  }
0x38: {  	[tilespmem:$0x2870] =	vst v1  }
0x39: {  	s20 =	simm.s32 $0x0;
	[bflag:$0x0] =	sbarrier.arrive $0xFFFF  }
0x3a: {  	[spmem:s2] =	stream.indirect.scatter.add.f32 [tilespmem:s13], [sflag:$0x1], $0x1, s20, s14, $0xb8;
	[tilespmem:$0x2B00] =	vst v63  }
0x3b: {  	_ =	swait.ge [sflag:s12], $0x80  }
0x3c: {  	s20 =	simm.s32 $0x200;
	[sflag:s12] =	ssyncset.done $0x0  }
.LBB2_2:
0x3d: {  	s21 =	sshra.s32 s20, $0x2;
	[sflag:s12] =	ssyncadd.s32 $0xFFFFFF80;
	p0 =	sne.s32 s20, $0x9C00  }
0x3e: {  	[spmem:s2] =	stream.indirect.scatter.add.f32 [tilespmem:s13], [sflag:$0x1], $0x1, s21, s14, $0xb8;
	[tilespmem:$0x2B00] =	vst v63  }
.Ltmp0:
0x3f: {  	_ = 	snop;
	(pc) =	sbr.rel @p0 .LBB2_2-.Ltmp0, $4  }
0x40: {  	_ = 	snop  }
0x41: {  	s20 =	sadd.s32 $0x200, s20  }
0x42: {  	_ =	swait.ge [sflag:s12], $0x80  }
0x43: {  	[sflag:s12] =	ssyncset.done $0x0  }
0x44: {  	s19 =	sadd.s32 $0x1, s19  }
0x45: {  	[sflag:s12] =	ssyncadd.s32 $0xFFFFFF80;
	p0 =	sne.s32 s19, s11  }
.Ltmp1:
0x46: {  	[bflag:$0x0] =	sbarrier.arrive $0xFFFF;
	(pc) =	sbr.rel @p0 .LBB2_1-.Ltmp1, $4  }
0x47: {  	[hbm:s10@s17], [sflag:s15] =	dma.strided [spmem:s16@s18], $0x50, s12, $0x10   }
0x48: {  	_ =	swait.ge [sflag:s12], $0x50  }
0x49: {  	[sflag:s12] =	ssyncset.done $0x0  }
0x4a: {  	[sflag:s12] =	ssyncadd.s32 $0xFFFFFFB0  }
0x4b: {  	_ =	sfence.sel $0x180000  }
0x4c: {  	[bflag:$0x0] =	sbarrier.arrive $0xFFFF  }
0x4d: {  	p0 =	sne.s32 s1, $0x0;
	_ =	strace $0x90000047  }
0x4e: {  	s0 =	sadd.s32 @!p0 $0x100000, s0;
	[bflag:$0x2] =	sbarrier.arrive $0xFFFF  }
0x4f: {  	[sflag:s0] =	ssyncadd.tile.s32 @!p0 $0x1;
	_ =	shalt  }
.Lfunc_end2:
_tile_overlayer_lowered:
.L_overlay_start_2:
0x50: {  	(tag) =	ssettag $0x2  }
0x51: {  	s0 =	rddreg [dreg:$0x0];
	s2 =	stileid.u32  }
0x52: {  	s1 =	rddreg [dreg:$0x1];
	p0 =	sne.s32 s2, $0x0  }
0x53: {  	s3 =	rddreg [dreg:$0x2];
	[bflag:$0x3] =	sbarrier.arrive $0xFFFF;
	s2 =	simm.s32 @!p0 $0x1C01  }
0x54: {  	[timem:s3], [sflag:s2] =	dma.local @!p0 [hbm:s0], s1  }
0x55: {  	s0 =	simm.s32 @!p0 $0x1  }
0x56: {  	_ =	swait.ge @!p0 [sflag:s0], s1  }
0x57: {  	s1 =	ssub.s32 @!p0 $0x0, s1;
	[sflag:s0] =	ssyncset.done @!p0 $0x0  }
0x58: {  	[sflag:s0] =	ssyncadd.s32 @!p0 s1  }
0x59: {  	[bflag:$0x3] =	sbarrier.arrive $0xFFFF  }
0x5a: {  	_ =	shalt  }

</sc_bundles>
